<compile_context>
chip_gen: v7x
topology: tpu7x:2x2x1
jax: 0.10.2.dev20260603
libtpu: 0.0.44.dev20260713+nightly
codegen_flags: <defaults>
</compile_context>

<pallas_src>
import functools

import jax
import jax.numpy as jnp
from jax import lax
from jax.experimental import pallas as pl
from jax.experimental.pallas import tpu as pltpu
from jax.experimental.pallas import tpu_sc as plsc

_B, _C, _NIN, _NOUT, _K = 8, 384, 16384, 4096, 9
_BC = _B * _C
_NSUB = 16
_ROWS_PER_W = _BC // _NSUB
_R = 2
_NBATCH = _ROWS_PER_W // _R
_L = 16
_JW = _NOUT // 2
_NPAIR = _JW // (2 * _L)


def _sc_body(x_hbm, nbrs_hbm, out_hbm, idx_v, rows_a, rows_b, out_a, out_b,
             in_sem_a, in_sem_b, out_sem_a, out_sem_b):
    cid = lax.axis_index("c")
    sid = lax.axis_index("s")
    base_row = sid * _ROWS_PER_W
    jbase = cid * _JW

    def issue_in(bi, buf, sem):
        row0 = base_row + bi * _R
        for r in range(_R):
            pltpu.make_async_copy(
                x_hbm.at[row0 + r], buf.at[pl.ds(r * _NIN, _NIN)], sem
            ).start()

    def wait_in(buf, sem):
        pltpu.make_async_copy(x_hbm.at[0], buf.at[pl.ds(0, _NIN)], sem).wait()
        pltpu.make_async_copy(x_hbm.at[0], buf.at[pl.ds(0, _NIN)], sem).wait()

    def compute(buf, out_v):
        def pair_body(pc, carry):
            j0 = pc * (2 * _L)
            for k in range(_K):
                v = idx_v[k, pl.ds(pc * _L, _L)]
                lo = v & 0xFFFF
                hi = lax.shift_right_logical(v, 16)
                for r in range(_R):
                    glo = plsc.load_gather(buf, [lo + (r * _NIN)])
                    ghi = plsc.load_gather(buf, [hi + (r * _NIN)])
                    if k == 0:
                        acc[r][0], acc[r][1] = glo, ghi
                    else:
                        acc[r][0] = jnp.maximum(acc[r][0], glo)
                        acc[r][1] = jnp.maximum(acc[r][1], ghi)
            for r in range(_R):
                out_v[r, pl.ds(j0, _L)] = acc[r][0]
                out_v[r, pl.ds(j0 + _L, _L)] = acc[r][1]
            return carry

        acc = [[None, None] for _ in range(_R)]
        lax.fori_loop(0, _NPAIR, pair_body, 0)

    def issue_out(bi, out_v, sem):
        row0 = base_row + bi * _R
        pltpu.make_async_copy(
            out_v, out_hbm.at[pl.ds(row0, _R), pl.ds(jbase, _JW)], sem
        ).start()

    def wait_out(out_v, sem):
        pltpu.make_async_copy(
            out_v, out_hbm.at[pl.ds(0, _R), pl.ds(jbase, _JW)], sem
        ).wait()

    issue_in(0, rows_a, in_sem_a)
    issue_in(1, rows_b, in_sem_b)
    pltpu.sync_copy(nbrs_hbm.at[:, pl.ds(cid * (_JW // 2), _JW // 2)], idx_v)

    def pair_of_batches(p, carry):
        bi = 2 * p
        wait_in(rows_a, in_sem_a)

        @pl.when(p > 0)
        def _():
            wait_out(out_a, out_sem_a)

        compute(rows_a, out_a)
        issue_out(bi, out_a, out_sem_a)

        @pl.when(bi + 2 < _NBATCH)
        def _():
            issue_in(bi + 2, rows_a, in_sem_a)

        wait_in(rows_b, in_sem_b)

        @pl.when(p > 0)
        def _():
            wait_out(out_b, out_sem_b)

        compute(rows_b, out_b)
        issue_out(bi + 1, out_b, out_sem_b)

        @pl.when(bi + 3 < _NBATCH)
        def _():
            issue_in(bi + 3, rows_b, in_sem_b)

        return carry

    lax.fori_loop(0, _NBATCH // 2, pair_of_batches, 0)
    wait_out(out_a, out_sem_a)
    wait_out(out_b, out_sem_b)


_sc_call = functools.partial(
    pl.kernel,
    out_type=jax.ShapeDtypeStruct((_BC, _NOUT), jnp.float32),
    mesh=plsc.VectorSubcoreMesh(core_axis_name="c", subcore_axis_name="s"),
    compiler_params=pltpu.CompilerParams(needs_layout_passes=False),
    scratch_types=[
        pltpu.VMEM((_K, _JW // 2), jnp.int32),
        pltpu.VMEM((_R * _NIN,), jnp.float32),
        pltpu.VMEM((_R * _NIN,), jnp.float32),
        pltpu.VMEM((_R, _JW), jnp.float32),
        pltpu.VMEM((_R, _JW), jnp.float32),
        pltpu.SemaphoreType.DMA,
        pltpu.SemaphoreType.DMA,
        pltpu.SemaphoreType.DMA,
        pltpu.SemaphoreType.DMA,
    ],
)(_sc_body)


def kernel(x, neighbours):
    b, c, n_in = x.shape
    xf = x.reshape(b * c, n_in)
    nb = neighbours.reshape(_K, _NOUT // (2 * _L), 2, _L)
    packed = (nb[:, :, 0, :] | (nb[:, :, 1, :] << 16)).reshape(_K, _NOUT // 2)
    out = _sc_call(xf, packed)
    return out.reshape(b, c, _NOUT)

# --- scband reference (transcript-rebuilt; emitter-appended) ---
"""Pipeline reference for scband-max-pool-nn-21088289423504 (READ-ONLY COPY).

The authoritative reference and input builder live on the scoring server;
editing this copy changes nothing except your own understanding.
"""

import jax, jax.numpy as jnp
import numpy as np

LOCS_IN = 16384
LOCS_OUT = 4096
K = 9
B = 8
C = 384

def setup_inputs(seed: int = 0) -> dict:
    key = jax.random.key(seed)
    kx, kn = jax.random.split(key)
    x = jax.random.normal(kx, (B, C, LOCS_IN), dtype=jnp.float32)
    # nearest_neighbours(locs_in, locs_out, k) buffer: int indices into the
    # input locations, shaped [k, N_out] so that x[:, :, nbrs] -> [B, C, k, N_out]
    neighbours = jax.random.randint(kn, (K, LOCS_OUT), 0, LOCS_IN, dtype=jnp.int32)
    return {"x": x, "neighbours": neighbours}

def reference(x, neighbours):
    # x: [B, C, N_in]; neighbours: [K, N_out]
    gathered = jnp.take(x, neighbours, axis=2)  # [B, C, K, N_out]
    out = jnp.max(gathered, axis=-2)            # [B, C, N_out]
    return out

if __name__ == "__main__":
    import jax
    _d = setup_inputs()
    print(jax.jit(kernel)(*tuple(_d.values())))

</pallas_src>

<mosaic_0001>
#map = affine_map<(d0, d1) -> (0, 0)>
module attributes {stable_mosaic.version = 14 : i64} {
  func.func @_sc_body(%arg0: i32, %arg1: i32, %arg2: memref<3072x16384xf32, #tpu.memory_space<hbm>>, %arg3: memref<9x2048xi32, #tpu.memory_space<hbm>>, %arg4: memref<3072x4096xf32, #tpu.memory_space<hbm>>, %arg5: memref<9x1024xi32, #tpu.memory_space<vmem>>, %arg6: memref<32768xf32, #tpu.memory_space<vmem>>, %arg7: memref<32768xf32, #tpu.memory_space<vmem>>, %arg8: memref<2x2048xf32, #tpu.memory_space<vmem>>, %arg9: memref<2x2048xf32, #tpu.memory_space<vmem>>, %arg10: memref<!tpu.dma_semaphore, #tpu.memory_space<semaphore_mem>>, %arg11: memref<!tpu.dma_semaphore, #tpu.memory_space<semaphore_mem>>, %arg12: memref<!tpu.dma_semaphore, #tpu.memory_space<semaphore_mem>>, %arg13: memref<!tpu.dma_semaphore, #tpu.memory_space<semaphore_mem>>) attributes {dimension_semantics = [#tpu.dimension_semantics<core_parallel>, #tpu.dimension_semantics<subcore_parallel>], iteration_bounds = array<i64: 2, 16>, scalar_prefetch = 0 : i64, scratch_operands = 9 : i64, tpu.core_type = #tpu.core_type<sc_vector_subcore>, window_params = [{transform_indices = #map}, {transform_indices = #map}, {transform_indices = #map}]} {
    %mul3A = arith.constant 192 : i32
    %mul3A_0 = arith.muli %arg1, %mul3A : i32
    %mul3A_1 = arith.constant 2048 : i32
    %mul3A_2 = arith.muli %arg0, %mul3A_1 : i32
    %add3A = arith.constant 0 : i32
    %add3A_3 = arith.addi %mul3A_0, %add3A : i32
    %add3A_4 = arith.constant 0 : i32
    %add3A_5 = arith.addi %add3A_3, %add3A_4 : i32
    %dma_start3A = arith.constant 0 : i32
    %dma_start3A_6 = tpu.memref_slice %arg6[%dma_start3A] : memref<32768xf32, #tpu.memory_space<vmem>> -> memref<16384xf32, #tpu.memory_space<vmem>>
    %dma_start3A_7 = arith.constant 0 : i32
    %dma_start3A_8 = tpu.memref_slice %arg2[%add3A_5, %dma_start3A_7] : memref<3072x16384xf32, #tpu.memory_space<hbm>> -> memref<1x16384xf32, #tpu.memory_space<hbm>>
    %dma_start3A_9 = tpu.memref_squeeze %dma_start3A_8 : memref<1x16384xf32, #tpu.memory_space<hbm>> -> memref<16384xf32, #tpu.memory_space<hbm>>
    %dma_start3A_10 = arith.constant 0 : i32
    %dma_start3A_11 = tpu.memref_slice %arg6[%dma_start3A_10] : memref<32768xf32, #tpu.memory_space<vmem>> -> memref<16384xf32, #tpu.memory_space<vmem>>
    %dma_start3A_12 = arith.constant 0 : i32
    %dma_start3A_13 = tpu.memref_slice %arg2[%add3A_5, %dma_start3A_12] : memref<3072x16384xf32, #tpu.memory_space<hbm>> -> memref<1x16384xf32, #tpu.memory_space<hbm>>
    %dma_start3A_14 = tpu.memref_squeeze %dma_start3A_13 : memref<1x16384xf32, #tpu.memory_space<hbm>> -> memref<16384xf32, #tpu.memory_space<hbm>>
    tpu.enqueue_dma source(%dma_start3A_14 : memref<16384xf32, #tpu.memory_space<hbm>>) target(%dma_start3A_11 : memref<16384xf32, #tpu.memory_space<vmem>>) target_semaphore(%arg10 : memref<!tpu.dma_semaphore, #tpu.memory_space<semaphore_mem>>)
    %add3A_15 = arith.constant 1 : i32
    %add3A_16 = arith.addi %add3A_3, %add3A_15 : i32
    %dma_start3A_17 = arith.constant 16384 : i32
    %dma_start3A_18 = tpu.memref_slice %arg6[%dma_start3A_17] : memref<32768xf32, #tpu.memory_space<vmem>> -> memref<16384xf32, #tpu.memory_space<vmem>>
    %dma_start3A_19 = arith.constant 0 : i32
    %dma_start3A_20 = tpu.memref_slice %arg2[%add3A_16, %dma_start3A_19] : memref<3072x16384xf32, #tpu.memory_space<hbm>> -> memref<1x16384xf32, #tpu.memory_space<hbm>>
    %dma_start3A_21 = tpu.memref_squeeze %dma_start3A_20 : memref<1x16384xf32, #tpu.memory_space<hbm>> -> memref<16384xf32, #tpu.memory_space<hbm>>
    %dma_start3A_22 = arith.constant 16384 : i32
    %dma_start3A_23 = tpu.memref_slice %arg6[%dma_start3A_22] : memref<32768xf32, #tpu.memory_space<vmem>> -> memref<16384xf32, #tpu.memory_space<vmem>>
    %dma_start3A_24 = arith.constant 0 : i32
    %dma_start3A_25 = tpu.memref_slice %arg2[%add3A_16, %dma_start3A_24] : memref<3072x16384xf32, #tpu.memory_space<hbm>> -> memref<1x16384xf32, #tpu.memory_space<hbm>>
    %dma_start3A_26 = tpu.memref_squeeze %dma_start3A_25 : memref<1x16384xf32, #tpu.memory_space<hbm>> -> memref<16384xf32, #tpu.memory_space<hbm>>
    tpu.enqueue_dma source(%dma_start3A_26 : memref<16384xf32, #tpu.memory_space<hbm>>) target(%dma_start3A_23 : memref<16384xf32, #tpu.memory_space<vmem>>) target_semaphore(%arg10 : memref<!tpu.dma_semaphore, #tpu.memory_space<semaphore_mem>>)
    %add3A_27 = arith.constant 2 : i32
    %add3A_28 = arith.addi %mul3A_0, %add3A_27 : i32
    %add3A_29 = arith.constant 0 : i32
    %add3A_30 = arith.addi %add3A_28, %add3A_29 : i32
    %dma_start3A_31 = arith.constant 0 : i32
    %dma_start3A_32 = tpu.memref_slice %arg7[%dma_start3A_31] : memref<32768xf32, #tpu.memory_space<vmem>> -> memref<16384xf32, #tpu.memory_space<vmem>>
    %dma_start3A_33 = arith.constant 0 : i32
    %dma_start3A_34 = tpu.memref_slice %arg2[%add3A_30, %dma_start3A_33] : memref<3072x16384xf32, #tpu.memory_space<hbm>> -> memref<1x16384xf32, #tpu.memory_space<hbm>>
    %dma_start3A_35 = tpu.memref_squeeze %dma_start3A_34 : memref<1x16384xf32, #tpu.memory_space<hbm>> -> memref<16384xf32, #tpu.memory_space<hbm>>
    %dma_start3A_36 = arith.constant 0 : i32
    %dma_start3A_37 = tpu.memref_slice %arg7[%dma_start3A_36] : memref<32768xf32, #tpu.memory_space<vmem>> -> memref<16384xf32, #tpu.memory_space<vmem>>
    %dma_start3A_38 = arith.constant 0 : i32
    %dma_start3A_39 = tpu.memref_slice %arg2[%add3A_30, %dma_start3A_38] : memref<3072x16384xf32, #tpu.memory_space<hbm>> -> memref<1x16384xf32, #tpu.memory_space<hbm>>
    %dma_start3A_40 = tpu.memref_squeeze %dma_start3A_39 : memref<1x16384xf32, #tpu.memory_space<hbm>> -> memref<16384xf32, #tpu.memory_space<hbm>>
    tpu.enqueue_dma source(%dma_start3A_40 : memref<16384xf32, #tpu.memory_space<hbm>>) target(%dma_start3A_37 : memref<16384xf32, #tpu.memory_space<vmem>>) target_semaphore(%arg11 : memref<!tpu.dma_semaphore, #tpu.memory_space<semaphore_mem>>)
    %add3A_41 = arith.constant 1 : i32
    %add3A_42 = arith.addi %add3A_28, %add3A_41 : i32
    %dma_start3A_43 = arith.constant 16384 : i32
    %dma_start3A_44 = tpu.memref_slice %arg7[%dma_start3A_43] : memref<32768xf32, #tpu.memory_space<vmem>> -> memref<16384xf32, #tpu.memory_space<vmem>>
    %dma_start3A_45 = arith.constant 0 : i32
    %dma_start3A_46 = tpu.memref_slice %arg2[%add3A_42, %dma_start3A_45] : memref<3072x16384xf32, #tpu.memory_space<hbm>> -> memref<1x16384xf32, #tpu.memory_space<hbm>>
    %dma_start3A_47 = tpu.memref_squeeze %dma_start3A_46 : memref<1x16384xf32, #tpu.memory_space<hbm>> -> memref<16384xf32, #tpu.memory_space<hbm>>
    %dma_start3A_48 = arith.constant 16384 : i32
    %dma_start3A_49 = tpu.memref_slice %arg7[%dma_start3A_48] : memref<32768xf32, #tpu.memory_space<vmem>> -> memref<16384xf32, #tpu.memory_space<vmem>>
    %dma_start3A_50 = arith.constant 0 : i32
    %dma_start3A_51 = tpu.memref_slice %arg2[%add3A_42, %dma_start3A_50] : memref<3072x16384xf32, #tpu.memory_space<hbm>> -> memref<1x16384xf32, #tpu.memory_space<hbm>>
    %dma_start3A_52 = tpu.memref_squeeze %dma_start3A_51 : memref<1x16384xf32, #tpu.memory_space<hbm>> -> memref<16384xf32, #tpu.memory_space<hbm>>
    tpu.enqueue_dma source(%dma_start3A_52 : memref<16384xf32, #tpu.memory_space<hbm>>) target(%dma_start3A_49 : memref<16384xf32, #tpu.memory_space<vmem>>) target_semaphore(%arg11 : memref<!tpu.dma_semaphore, #tpu.memory_space<semaphore_mem>>)
    %mul3A_53 = arith.constant 1024 : i32
    %mul3A_54 = arith.muli %arg0, %mul3A_53 : i32
    "tpu.region"() ({
      %run_scoped3A = tpu.sem_alloc : memref<!tpu.dma_semaphore, #tpu.memory_space<semaphore_mem>>
      %dma_start3A_67 = arith.constant 0 : i32
      %dma_start3A_68 = tpu.memref_slice %arg3[%dma_start3A_67, %mul3A_54] : memref<9x2048xi32, #tpu.memory_space<hbm>> -> memref<9x1024xi32, #tpu.memory_space<hbm>>
      %dma_start3A_69 = arith.constant 0 : i32
      %dma_start3A_70 = tpu.memref_slice %arg3[%dma_start3A_69, %mul3A_54] : memref<9x2048xi32, #tpu.memory_space<hbm>> -> memref<9x1024xi32, #tpu.memory_space<hbm>>
      tpu.enqueue_dma source(%dma_start3A_70 : memref<9x1024xi32, #tpu.memory_space<hbm>>) target(%arg5 : memref<9x1024xi32, #tpu.memory_space<vmem>>) target_semaphore(%run_scoped3A : memref<!tpu.dma_semaphore, #tpu.memory_space<semaphore_mem>>)
      %dma_wait3A_71 = arith.constant 0 : i32
      %dma_wait3A_72 = tpu.memref_slice %arg3[%dma_wait3A_71, %mul3A_54] : memref<9x2048xi32, #tpu.memory_space<hbm>> -> memref<9x1024xi32, #tpu.memory_space<hbm>>
      %dma_wait3A_73 = arith.constant 0 : i32
      %dma_wait3A_74 = tpu.memref_slice %arg3[%dma_wait3A_73, %mul3A_54] : memref<9x2048xi32, #tpu.memory_space<hbm>> -> memref<9x1024xi32, #tpu.memory_space<hbm>>
      tpu.wait_dma2 semaphore(%run_scoped3A : memref<!tpu.dma_semaphore, #tpu.memory_space<semaphore_mem>>) src(%dma_wait3A_74 : memref<9x1024xi32, #tpu.memory_space<hbm>>) dst(%arg5 : memref<9x1024xi32, #tpu.memory_space<vmem>>)
      tpu.yield
    }) : () -> ()
    %scan3A = arith.constant 0 : i32
    %scan3A_55 = arith.constant 0 : i32
    %scan3A_56 = arith.constant 48 : i32
    %scan3A_57 = arith.addi %scan3A_55, %scan3A_56 : i32
    %scan3A_58 = arith.constant 1 : i32
    scf.for %scan3A_67 = %scan3A_55 to %scan3A_57 step %scan3A_58  : i32 {
      %mul3A_68 = arith.constant 2 : i32
      %mul3A_69 = arith.muli %mul3A_68, %scan3A_67 : i32
      %dma_wait3A_70 = arith.constant 0 : i32
      %dma_wait3A_71 = arith.constant 0 : i32
      %dma_wait3A_72 = tpu.memref_slice %arg6[%dma_wait3A_71] : memref<32768xf32, #tpu.memory_space<vmem>> -> memref<16384xf32, #tpu.memory_space<vmem>>
      %dma_wait3A_73 = arith.constant 0 : i32
      %dma_wait3A_74 = tpu.memref_slice %arg2[%dma_wait3A_70, %dma_wait3A_73] : memref<3072x16384xf32, #tpu.memory_space<hbm>> -> memref<1x16384xf32, #tpu.memory_space<hbm>>
      %dma_wait3A_75 = tpu.memref_squeeze %dma_wait3A_74 : memref<1x16384xf32, #tpu.memory_space<hbm>> -> memref<16384xf32, #tpu.memory_space<hbm>>
      %dma_wait3A_76 = arith.constant 0 : i32
      %dma_wait3A_77 = tpu.memref_slice %arg6[%dma_wait3A_76] : memref<32768xf32, #tpu.memory_space<vmem>> -> memref<16384xf32, #tpu.memory_space<vmem>>
      %dma_wait3A_78 = arith.constant 0 : i32
      %dma_wait3A_79 = tpu.memref_slice %arg2[%dma_wait3A_70, %dma_wait3A_78] : memref<3072x16384xf32, #tpu.memory_space<hbm>> -> memref<1x16384xf32, #tpu.memory_space<hbm>>
      %dma_wait3A_80 = tpu.memref_squeeze %dma_wait3A_79 : memref<1x16384xf32, #tpu.memory_space<hbm>> -> memref<16384xf32, #tpu.memory_space<hbm>>
      tpu.wait_dma2 semaphore(%arg10 : memref<!tpu.dma_semaphore, #tpu.memory_space<semaphore_mem>>) src(%dma_wait3A_80 : memref<16384xf32, #tpu.memory_space<hbm>>) dst(%dma_wait3A_77 : memref<16384xf32, #tpu.memory_space<vmem>>)
      %dma_wait3A_81 = arith.constant 0 : i32
      %dma_wait3A_82 = arith.constant 0 : i32
      %dma_wait3A_83 = tpu.memref_slice %arg6[%dma_wait3A_82] : memref<32768xf32, #tpu.memory_space<vmem>> -> memref<16384xf32, #tpu.memory_space<vmem>>
      %dma_wait3A_84 = arith.constant 0 : i32
      %dma_wait3A_85 = tpu.memref_slice %arg2[%dma_wait3A_81, %dma_wait3A_84] : memref<3072x16384xf32, #tpu.memory_space<hbm>> -> memref<1x16384xf32, #tpu.memory_space<hbm>>
      %dma_wait3A_86 = tpu.memref_squeeze %dma_wait3A_85 : memref<1x16384xf32, #tpu.memory_space<hbm>> -> memref<16384xf32, #tpu.memory_space<hbm>>
      %dma_wait3A_87 = arith.constant 0 : i32
      %dma_wait3A_88 = tpu.memref_slice %arg6[%dma_wait3A_87] : memref<32768xf32, #tpu.memory_space<vmem>> -> memref<16384xf32, #tpu.memory_space<vmem>>
      %dma_wait3A_89 = arith.constant 0 : i32
      %dma_wait3A_90 = tpu.memref_slice %arg2[%dma_wait3A_81, %dma_wait3A_89] : memref<3072x16384xf32, #tpu.memory_space<hbm>> -> memref<1x16384xf32, #tpu.memory_space<hbm>>
      %dma_wait3A_91 = tpu.memref_squeeze %dma_wait3A_90 : memref<1x16384xf32, #tpu.memory_space<hbm>> -> memref<16384xf32, #tpu.memory_space<hbm>>
      tpu.wait_dma2 semaphore(%arg10 : memref<!tpu.dma_semaphore, #tpu.memory_space<semaphore_mem>>) src(%dma_wait3A_91 : memref<16384xf32, #tpu.memory_space<hbm>>) dst(%dma_wait3A_88 : memref<16384xf32, #tpu.memory_space<vmem>>)
      %gt3A = arith.constant 0 : i32
      %gt3A_92 = arith.cmpi sgt, %scan3A_67, %gt3A : i32
      %convert_element_type3A = arith.extui %gt3A_92 : i1 to i32
      %cond3A = arith.constant 0 : i32
      %cond3A_93 = arith.cmpi ne, %convert_element_type3A, %cond3A : i32
      scf.if %cond3A_93 {
        %dma_wait3A_158 = arith.constant 0 : i32
        %dma_wait3A_159 = tpu.memref_slice %arg4[%dma_wait3A_158, %mul3A_2] : memref<3072x4096xf32, #tpu.memory_space<hbm>> -> memref<2x2048xf32, #tpu.memory_space<hbm>>
        %dma_wait3A_160 = arith.constant 0 : i32
        %dma_wait3A_161 = tpu.memref_slice %arg4[%dma_wait3A_160, %mul3A_2] : memref<3072x4096xf32, #tpu.memory_space<hbm>> -> memref<2x2048xf32, #tpu.memory_space<hbm>>
        tpu.wait_dma2 semaphore(%arg12 : memref<!tpu.dma_semaphore, #tpu.memory_space<semaphore_mem>>) src(%arg8 : memref<2x2048xf32, #tpu.memory_space<vmem>>) dst(%dma_wait3A_161 : memref<2x2048xf32, #tpu.memory_space<hbm>>)
      } else {
      }
      %scan3A_94 = arith.constant 0 : i32
      %scan3A_95 = arith.constant 0 : i32
      %scan3A_96 = arith.constant 64 : i32
      %scan3A_97 = arith.addi %scan3A_95, %scan3A_96 : i32
      %scan3A_98 = arith.constant 1 : i32
      scf.for %scan3A_158 = %scan3A_95 to %scan3A_97 step %scan3A_98  : i32 {
        %mul3A_159 = arith.constant 32 : i32
        %mul3A_160 = arith.muli %scan3A_158, %mul3A_159 : i32
        %mul3A_161 = arith.constant 16 : i32
        %mul3A_162 = arith.muli %scan3A_158, %mul3A_161 : i32
        %get3A = arith.constant 0 : i32
        %get3A_163 = arith.index_cast %get3A : i32 to index
        %get3A_164 = arith.index_cast %mul3A_162 : i32 to index
        %get3A_165 = tpu.vector_load %arg5[%get3A_163, %get3A_164] {strides = array<i32>} : memref<9x1024xi32, #tpu.memory_space<vmem>>, vector<16xi32>,
        %and3A = arith.constant 65535 : i32
        %and3A_166 = vector.broadcast %and3A : i32 to vector<16xi32>
        %and3A_167 = arith.andi %get3A_165, %and3A_166 : vector<16xi32>
        %shift_right_logical3A = arith.constant 16 : i32
        %shift_right_logical3A_168 = vector.broadcast %shift_right_logical3A : i32 to vector<16xi32>
        %shift_right_logical3A_169 = arith.shrui %get3A_165, %shift_right_logical3A_168 : vector<16xi32>
        %add3A_170 = arith.constant 0 : i32
        %add3A_171 = vector.broadcast %add3A_170 : i32 to vector<16xi32>
        %add3A_172 = arith.addi %and3A_167, %add3A_171 : vector<16xi32>
        %gather3A = tpu.vector_load_idx %arg6[%add3A_172] : memref<32768xf32, #tpu.memory_space<vmem>>[vector<16xi32>], vector<16xf32>,
        %add3A_173 = arith.constant 0 : i32
        %add3A_174 = vector.broadcast %add3A_173 : i32 to vector<16xi32>
        %add3A_175 = arith.addi %shift_right_logical3A_169, %add3A_174 : vector<16xi32>
        %gather3A_176 = tpu.vector_load_idx %arg6[%add3A_175] : memref<32768xf32, #tpu.memory_space<vmem>>[vector<16xi32>], vector<16xf32>,
        %add3A_177 = arith.constant 16384 : i32
        %add3A_178 = vector.broadcast %add3A_177 : i32 to vector<16xi32>
        %add3A_179 = arith.addi %and3A_167, %add3A_178 : vector<16xi32>
        %gather3A_180 = tpu.vector_load_idx %arg6[%add3A_179] : memref<32768xf32, #tpu.memory_space<vmem>>[vector<16xi32>], vector<16xf32>,
        %add3A_181 = arith.constant 16384 : i32
        %add3A_182 = vector.broadcast %add3A_181 : i32 to vector<16xi32>
        %add3A_183 = arith.addi %shift_right_logical3A_169, %add3A_182 : vector<16xi32>
        %gather3A_184 = tpu.vector_load_idx %arg6[%add3A_183] : memref<32768xf32, #tpu.memory_space<vmem>>[vector<16xi32>], vector<16xf32>,
        %mul3A_185 = arith.constant 16 : i32
        %mul3A_186 = arith.muli %scan3A_158, %mul3A_185 : i32
        %get3A_187 = arith.constant 1 : i32
        %get3A_188 = arith.index_cast %get3A_187 : i32 to index
        %get3A_189 = arith.index_cast %mul3A_186 : i32 to index
        %get3A_190 = tpu.vector_load %arg5[%get3A_188, %get3A_189] {strides = array<i32>} : memref<9x1024xi32, #tpu.memory_space<vmem>>, vector<16xi32>,
        %and3A_191 = arith.constant 65535 : i32
        %and3A_192 = vector.broadcast %and3A_191 : i32 to vector<16xi32>
        %and3A_193 = arith.andi %get3A_190, %and3A_192 : vector<16xi32>
        %shift_right_logical3A_194 = arith.constant 16 : i32
        %shift_right_logical3A_195 = vector.broadcast %shift_right_logical3A_194 : i32 to vector<16xi32>
        %shift_right_logical3A_196 = arith.shrui %get3A_190, %shift_right_logical3A_195 : vector<16xi32>
        %add3A_197 = arith.constant 0 : i32
        %add3A_198 = vector.broadcast %add3A_197 : i32 to vector<16xi32>
        %add3A_199 = arith.addi %and3A_193, %add3A_198 : vector<16xi32>
        %gather3A_200 = tpu.vector_load_idx %arg6[%add3A_199] : memref<32768xf32, #tpu.memory_space<vmem>>[vector<16xi32>], vector<16xf32>,
        %add3A_201 = arith.constant 0 : i32
        %add3A_202 = vector.broadcast %add3A_201 : i32 to vector<16xi32>
        %add3A_203 = arith.addi %shift_right_logical3A_196, %add3A_202 : vector<16xi32>
        %gather3A_204 = tpu.vector_load_idx %arg6[%add3A_203] : memref<32768xf32, #tpu.memory_space<vmem>>[vector<16xi32>], vector<16xf32>,
        %max3A = arith.maximumf %gather3A, %gather3A_200 : vector<16xf32>
        %max3A_205 = arith.maximumf %gather3A_176, %gather3A_204 : vector<16xf32>
        %add3A_206 = arith.constant 16384 : i32
        %add3A_207 = vector.broadcast %add3A_206 : i32 to vector<16xi32>
        %add3A_208 = arith.addi %and3A_193, %add3A_207 : vector<16xi32>
        %gather3A_209 = tpu.vector_load_idx %arg6[%add3A_208] : memref<32768xf32, #tpu.memory_space<vmem>>[vector<16xi32>], vector<16xf32>,
        %add3A_210 = arith.constant 16384 : i32
        %add3A_211 = vector.broadcast %add3A_210 : i32 to vector<16xi32>
        %add3A_212 = arith.addi %shift_right_logical3A_196, %add3A_211 : vector<16xi32>
        %gather3A_213 = tpu.vector_load_idx %arg6[%add3A_212] : memref<32768xf32, #tpu.memory_space<vmem>>[vector<16xi32>], vector<16xf32>,
        %max3A_214 = arith.maximumf %gather3A_180, %gather3A_209 : vector<16xf32>
        %max3A_215 = arith.maximumf %gather3A_184, %gather3A_213 : vector<16xf32>
        %mul3A_216 = arith.constant 16 : i32
        %mul3A_217 = arith.muli %scan3A_158, %mul3A_216 : i32
        %get3A_218 = arith.constant 2 : i32
        %get3A_219 = arith.index_cast %get3A_218 : i32 to index
        %get3A_220 = arith.index_cast %mul3A_217 : i32 to index
        %get3A_221 = tpu.vector_load %arg5[%get3A_219, %get3A_220] {strides = array<i32>} : memref<9x1024xi32, #tpu.memory_space<vmem>>, vector<16xi32>,
        %and3A_222 = arith.constant 65535 : i32
        %and3A_223 = vector.broadcast %and3A_222 : i32 to vector<16xi32>
        %and3A_224 = arith.andi %get3A_221, %and3A_223 : vector<16xi32>
        %shift_right_logical3A_225 = arith.constant 16 : i32
        %shift_right_logical3A_226 = vector.broadcast %shift_right_logical3A_225 : i32 to vector<16xi32>
        %shift_right_logical3A_227 = arith.shrui %get3A_221, %shift_right_logical3A_226 : vector<16xi32>
        %add3A_228 = arith.constant 0 : i32
        %add3A_229 = vector.broadcast %add3A_228 : i32 to vector<16xi32>
        %add3A_230 = arith.addi %and3A_224, %add3A_229 : vector<16xi32>
        %gather3A_231 = tpu.vector_load_idx %arg6[%add3A_230] : memref<32768xf32, #tpu.memory_space<vmem>>[vector<16xi32>], vector<16xf32>,
        %add3A_232 = arith.constant 0 : i32
        %add3A_233 = vector.broadcast %add3A_232 : i32 to vector<16xi32>
        %add3A_234 = arith.addi %shift_right_logical3A_227, %add3A_233 : vector<16xi32>
        %gather3A_235 = tpu.vector_load_idx %arg6[%add3A_234] : memref<32768xf32, #tpu.memory_space<vmem>>[vector<16xi32>], vector<16xf32>,
        %max3A_236 = arith.maximumf %max3A, %gather3A_231 : vector<16xf32>
        %max3A_237 = arith.maximumf %max3A_205, %gather3A_235 : vector<16xf32>
        %add3A_238 = arith.constant 16384 : i32
        %add3A_239 = vector.broadcast %add3A_238 : i32 to vector<16xi32>
        %add3A_240 = arith.addi %and3A_224, %add3A_239 : vector<16xi32>
        %gather3A_241 = tpu.vector_load_idx %arg6[%add3A_240] : memref<32768xf32, #tpu.memory_space<vmem>>[vector<16xi32>], vector<16xf32>,
        %add3A_242 = arith.constant 16384 : i32
        %add3A_243 = vector.broadcast %add3A_242 : i32 to vector<16xi32>
        %add3A_244 = arith.addi %shift_right_logical3A_227, %add3A_243 : vector<16xi32>
        %gather3A_245 = tpu.vector_load_idx %arg6[%add3A_244] : memref<32768xf32, #tpu.memory_space<vmem>>[vector<16xi32>], vector<16xf32>,
        %max3A_246 = arith.maximumf %max3A_214, %gather3A_241 : vector<16xf32>
        %max3A_247 = arith.maximumf %max3A_215, %gather3A_245 : vector<16xf32>
        %mul3A_248 = arith.constant 16 : i32
        %mul3A_249 = arith.muli %scan3A_158, %mul3A_248 : i32
        %get3A_250 = arith.constant 3 : i32
        %get3A_251 = arith.index_cast %get3A_250 : i32 to index
        %get3A_252 = arith.index_cast %mul3A_249 : i32 to index
        %get3A_253 = tpu.vector_load %arg5[%get3A_251, %get3A_252] {strides = array<i32>} : memref<9x1024xi32, #tpu.memory_space<vmem>>, vector<16xi32>,
        %and3A_254 = arith.constant 65535 : i32
        %and3A_255 = vector.broadcast %and3A_254 : i32 to vector<16xi32>
        %and3A_256 = arith.andi %get3A_253, %and3A_255 : vector<16xi32>
        %shift_right_logical3A_257 = arith.constant 16 : i32
        %shift_right_logical3A_258 = vector.broadcast %shift_right_logical3A_257 : i32 to vector<16xi32>
        %shift_right_logical3A_259 = arith.shrui %get3A_253, %shift_right_logical3A_258 : vector<16xi32>
        %add3A_260 = arith.constant 0 : i32
        %add3A_261 = vector.broadcast %add3A_260 : i32 to vector<16xi32>
        %add3A_262 = arith.addi %and3A_256, %add3A_261 : vector<16xi32>
        %gather3A_263 = tpu.vector_load_idx %arg6[%add3A_262] : memref<32768xf32, #tpu.memory_space<vmem>>[vector<16xi32>], vector<16xf32>,
        %add3A_264 = arith.constant 0 : i32
        %add3A_265 = vector.broadcast %add3A_264 : i32 to vector<16xi32>
        %add3A_266 = arith.addi %shift_right_logical3A_259, %add3A_265 : vector<16xi32>
        %gather3A_267 = tpu.vector_load_idx %arg6[%add3A_266] : memref<32768xf32, #tpu.memory_space<vmem>>[vector<16xi32>], vector<16xf32>,
        %max3A_268 = arith.maximumf %max3A_236, %gather3A_263 : vector<16xf32>
        %max3A_269 = arith.maximumf %max3A_237, %gather3A_267 : vector<16xf32>
        %add3A_270 = arith.constant 16384 : i32
        %add3A_271 = vector.broadcast %add3A_270 : i32 to vector<16xi32>
        %add3A_272 = arith.addi %and3A_256, %add3A_271 : vector<16xi32>
        %gather3A_273 = tpu.vector_load_idx %arg6[%add3A_272] : memref<32768xf32, #tpu.memory_space<vmem>>[vector<16xi32>], vector<16xf32>,
        %add3A_274 = arith.constant 16384 : i32
        %add3A_275 = vector.broadcast %add3A_274 : i32 to vector<16xi32>
        %add3A_276 = arith.addi %shift_right_logical3A_259, %add3A_275 : vector<16xi32>
        %gather3A_277 = tpu.vector_load_idx %arg6[%add3A_276] : memref<32768xf32, #tpu.memory_space<vmem>>[vector<16xi32>], vector<16xf32>,
        %max3A_278 = arith.maximumf %max3A_246, %gather3A_273 : vector<16xf32>
        %max3A_279 = arith.maximumf %max3A_247, %gather3A_277 : vector<16xf32>
        %mul3A_280 = arith.constant 16 : i32
        %mul3A_281 = arith.muli %scan3A_158, %mul3A_280 : i32
        %get3A_282 = arith.constant 4 : i32
        %get3A_283 = arith.index_cast %get3A_282 : i32 to index
        %get3A_284 = arith.index_cast %mul3A_281 : i32 to index
        %get3A_285 = tpu.vector_load %arg5[%get3A_283, %get3A_284] {strides = array<i32>} : memref<9x1024xi32, #tpu.memory_space<vmem>>, vector<16xi32>,
        %and3A_286 = arith.constant 65535 : i32
        %and3A_287 = vector.broadcast %and3A_286 : i32 to vector<16xi32>
        %and3A_288 = arith.andi %get3A_285, %and3A_287 : vector<16xi32>
        %shift_right_logical3A_289 = arith.constant 16 : i32
        %shift_right_logical3A_290 = vector.broadcast %shift_right_logical3A_289 : i32 to vector<16xi32>
        %shift_right_logical3A_291 = arith.shrui %get3A_285, %shift_right_logical3A_290 : vector<16xi32>
        %add3A_292 = arith.constant 0 : i32
        %add3A_293 = vector.broadcast %add3A_292 : i32 to vector<16xi32>
        %add3A_294 = arith.addi %and3A_288, %add3A_293 : vector<16xi32>
        %gather3A_295 = tpu.vector_load_idx %arg6[%add3A_294] : memref<32768xf32, #tpu.memory_space<vmem>>[vector<16xi32>], vector<16xf32>,
        %add3A_296 = arith.constant 0 : i32
        %add3A_297 = vector.broadcast %add3A_296 : i32 to vector<16xi32>
        %add3A_298 = arith.addi %shift_right_logical3A_291, %add3A_297 : vector<16xi32>
        %gather3A_299 = tpu.vector_load_idx %arg6[%add3A_298] : memref<32768xf32, #tpu.memory_space<vmem>>[vector<16xi32>], vector<16xf32>,
        %max3A_300 = arith.maximumf %max3A_268, %gather3A_295 : vector<16xf32>
        %max3A_301 = arith.maximumf %max3A_269, %gather3A_299 : vector<16xf32>
        %add3A_302 = arith.constant 16384 : i32
        %add3A_303 = vector.broadcast %add3A_302 : i32 to vector<16xi32>
        %add3A_304 = arith.addi %and3A_288, %add3A_303 : vector<16xi32>
        %gather3A_305 = tpu.vector_load_idx %arg6[%add3A_304] : memref<32768xf32, #tpu.memory_space<vmem>>[vector<16xi32>], vector<16xf32>,
        %add3A_306 = arith.constant 16384 : i32
        %add3A_307 = vector.broadcast %add3A_306 : i32 to vector<16xi32>
        %add3A_308 = arith.addi %shift_right_logical3A_291, %add3A_307 : vector<16xi32>
        %gather3A_309 = tpu.vector_load_idx %arg6[%add3A_308] : memref<32768xf32, #tpu.memory_space<vmem>>[vector<16xi32>], vector<16xf32>,
        %max3A_310 = arith.maximumf %max3A_278, %gather3A_305 : vector<16xf32>
        %max3A_311 = arith.maximumf %max3A_279, %gather3A_309 : vector<16xf32>
        %mul3A_312 = arith.constant 16 : i32
        %mul3A_313 = arith.muli %scan3A_158, %mul3A_312 : i32
        %get3A_314 = arith.constant 5 : i32
        %get3A_315 = arith.index_cast %get3A_314 : i32 to index
        %get3A_316 = arith.index_cast %mul3A_313 : i32 to index
        %get3A_317 = tpu.vector_load %arg5[%get3A_315, %get3A_316] {strides = array<i32>} : memref<9x1024xi32, #tpu.memory_space<vmem>>, vector<16xi32>,
        %and3A_318 = arith.constant 65535 : i32
        %and3A_319 = vector.broadcast %and3A_318 : i32 to vector<16xi32>
        %and3A_320 = arith.andi %get3A_317, %and3A_319 : vector<16xi32>
        %shift_right_logical3A_321 = arith.constant 16 : i32
        %shift_right_logical3A_322 = vector.broadcast %shift_right_logical3A_321 : i32 to vector<16xi32>
        %shift_right_logical3A_323 = arith.shrui %get3A_317, %shift_right_logical3A_322 : vector<16xi32>
        %add3A_324 = arith.constant 0 : i32
        %add3A_325 = vector.broadcast %add3A_324 : i32 to vector<16xi32>
        %add3A_326 = arith.addi %and3A_320, %add3A_325 : vector<16xi32>
        %gather3A_327 = tpu.vector_load_idx %arg6[%add3A_326] : memref<32768xf32, #tpu.memory_space<vmem>>[vector<16xi32>], vector<16xf32>,
        %add3A_328 = arith.constant 0 : i32
        %add3A_329 = vector.broadcast %add3A_328 : i32 to vector<16xi32>
        %add3A_330 = arith.addi %shift_right_logical3A_323, %add3A_329 : vector<16xi32>
        %gather3A_331 = tpu.vector_load_idx %arg6[%add3A_330] : memref<32768xf32, #tpu.memory_space<vmem>>[vector<16xi32>], vector<16xf32>,
        %max3A_332 = arith.maximumf %max3A_300, %gather3A_327 : vector<16xf32>
        %max3A_333 = arith.maximumf %max3A_301, %gather3A_331 : vector<16xf32>
        %add3A_334 = arith.constant 16384 : i32
        %add3A_335 = vector.broadcast %add3A_334 : i32 to vector<16xi32>
        %add3A_336 = arith.addi %and3A_320, %add3A_335 : vector<16xi32>
        %gather3A_337 = tpu.vector_load_idx %arg6[%add3A_336] : memref<32768xf32, #tpu.memory_space<vmem>>[vector<16xi32>], vector<16xf32>,
        %add3A_338 = arith.constant 16384 : i32
        %add3A_339 = vector.broadcast %add3A_338 : i32 to vector<16xi32>
        %add3A_340 = arith.addi %shift_right_logical3A_323, %add3A_339 : vector<16xi32>
        %gather3A_341 = tpu.vector_load_idx %arg6[%add3A_340] : memref<32768xf32, #tpu.memory_space<vmem>>[vector<16xi32>], vector<16xf32>,
        %max3A_342 = arith.maximumf %max3A_310, %gather3A_337 : vector<16xf32>
        %max3A_343 = arith.maximumf %max3A_311, %gather3A_341 : vector<16xf32>
        %mul3A_344 = arith.constant 16 : i32
        %mul3A_345 = arith.muli %scan3A_158, %mul3A_344 : i32
        %get3A_346 = arith.constant 6 : i32
        %get3A_347 = arith.index_cast %get3A_346 : i32 to index
        %get3A_348 = arith.index_cast %mul3A_345 : i32 to index
        %get3A_349 = tpu.vector_load %arg5[%get3A_347, %get3A_348] {strides = array<i32>} : memref<9x1024xi32, #tpu.memory_space<vmem>>, vector<16xi32>,
        %and3A_350 = arith.constant 65535 : i32
        %and3A_351 = vector.broadcast %and3A_350 : i32 to vector<16xi32>
        %and3A_352 = arith.andi %get3A_349, %and3A_351 : vector<16xi32>
        %shift_right_logical3A_353 = arith.constant 16 : i32
        %shift_right_logical3A_354 = vector.broadcast %shift_right_logical3A_353 : i32 to vector<16xi32>
        %shift_right_logical3A_355 = arith.shrui %get3A_349, %shift_right_logical3A_354 : vector<16xi32>
        %add3A_356 = arith.constant 0 : i32
        %add3A_357 = vector.broadcast %add3A_356 : i32 to vector<16xi32>
        %add3A_358 = arith.addi %and3A_352, %add3A_357 : vector<16xi32>
        %gather3A_359 = tpu.vector_load_idx %arg6[%add3A_358] : memref<32768xf32, #tpu.memory_space<vmem>>[vector<16xi32>], vector<16xf32>,
        %add3A_360 = arith.constant 0 : i32
        %add3A_361 = vector.broadcast %add3A_360 : i32 to vector<16xi32>
        %add3A_362 = arith.addi %shift_right_logical3A_355, %add3A_361 : vector<16xi32>
        %gather3A_363 = tpu.vector_load_idx %arg6[%add3A_362] : memref<32768xf32, #tpu.memory_space<vmem>>[vector<16xi32>], vector<16xf32>,
        %max3A_364 = arith.maximumf %max3A_332, %gather3A_359 : vector<16xf32>
        %max3A_365 = arith.maximumf %max3A_333, %gather3A_363 : vector<16xf32>
        %add3A_366 = arith.constant 16384 : i32
        %add3A_367 = vector.broadcast %add3A_366 : i32 to vector<16xi32>
        %add3A_368 = arith.addi %and3A_352, %add3A_367 : vector<16xi32>
        %gather3A_369 = tpu.vector_load_idx %arg6[%add3A_368] : memref<32768xf32, #tpu.memory_space<vmem>>[vector<16xi32>], vector<16xf32>,
        %add3A_370 = arith.constant 16384 : i32
        %add3A_371 = vector.broadcast %add3A_370 : i32 to vector<16xi32>
        %add3A_372 = arith.addi %shift_right_logical3A_355, %add3A_371 : vector<16xi32>
        %gather3A_373 = tpu.vector_load_idx %arg6[%add3A_372] : memref<32768xf32, #tpu.memory_space<vmem>>[vector<16xi32>], vector<16xf32>,
        %max3A_374 = arith.maximumf %max3A_342, %gather3A_369 : vector<16xf32>
        %max3A_375 = arith.maximumf %max3A_343, %gather3A_373 : vector<16xf32>
        %mul3A_376 = arith.constant 16 : i32
        %mul3A_377 = arith.muli %scan3A_158, %mul3A_376 : i32
        %get3A_378 = arith.constant 7 : i32
        %get3A_379 = arith.index_cast %get3A_378 : i32 to index
        %get3A_380 = arith.index_cast %mul3A_377 : i32 to index
        %get3A_381 = tpu.vector_load %arg5[%get3A_379, %get3A_380] {strides = array<i32>} : memref<9x1024xi32, #tpu.memory_space<vmem>>, vector<16xi32>,
        %and3A_382 = arith.constant 65535 : i32
        %and3A_383 = vector.broadcast %and3A_382 : i32 to vector<16xi32>
        %and3A_384 = arith.andi %get3A_381, %and3A_383 : vector<16xi32>
        %shift_right_logical3A_385 = arith.constant 16 : i32
        %shift_right_logical3A_386 = vector.broadcast %shift_right_logical3A_385 : i32 to vector<16xi32>
        %shift_right_logical3A_387 = arith.shrui %get3A_381, %shift_right_logical3A_386 : vector<16xi32>
        %add3A_388 = arith.constant 0 : i32
        %add3A_389 = vector.broadcast %add3A_388 : i32 to vector<16xi32>
        %add3A_390 = arith.addi %and3A_384, %add3A_389 : vector<16xi32>
        %gather3A_391 = tpu.vector_load_idx %arg6[%add3A_390] : memref<32768xf32, #tpu.memory_space<vmem>>[vector<16xi32>], vector<16xf32>,
        %add3A_392 = arith.constant 0 : i32
        %add3A_393 = vector.broadcast %add3A_392 : i32 to vector<16xi32>
        %add3A_394 = arith.addi %shift_right_logical3A_387, %add3A_393 : vector<16xi32>
        %gather3A_395 = tpu.vector_load_idx %arg6[%add3A_394] : memref<32768xf32, #tpu.memory_space<vmem>>[vector<16xi32>], vector<16xf32>,
        %max3A_396 = arith.maximumf %max3A_364, %gather3A_391 : vector<16xf32>
        %max3A_397 = arith.maximumf %max3A_365, %gather3A_395 : vector<16xf32>
        %add3A_398 = arith.constant 16384 : i32
        %add3A_399 = vector.broadcast %add3A_398 : i32 to vector<16xi32>
        %add3A_400 = arith.addi %and3A_384, %add3A_399 : vector<16xi32>
        %gather3A_401 = tpu.vector_load_idx %arg6[%add3A_400] : memref<32768xf32, #tpu.memory_space<vmem>>[vector<16xi32>], vector<16xf32>,
        %add3A_402 = arith.constant 16384 : i32
        %add3A_403 = vector.broadcast %add3A_402 : i32 to vector<16xi32>
        %add3A_404 = arith.addi %shift_right_logical3A_387, %add3A_403 : vector<16xi32>
        %gather3A_405 = tpu.vector_load_idx %arg6[%add3A_404] : memref<32768xf32, #tpu.memory_space<vmem>>[vector<16xi32>], vector<16xf32>,
        %max3A_406 = arith.maximumf %max3A_374, %gather3A_401 : vector<16xf32>
        %max3A_407 = arith.maximumf %max3A_375, %gather3A_405 : vector<16xf32>
        %mul3A_408 = arith.constant 16 : i32
        %mul3A_409 = arith.muli %scan3A_158, %mul3A_408 : i32
        %get3A_410 = arith.constant 8 : i32
        %get3A_411 = arith.index_cast %get3A_410 : i32 to index
        %get3A_412 = arith.index_cast %mul3A_409 : i32 to index
        %get3A_413 = tpu.vector_load %arg5[%get3A_411, %get3A_412] {strides = array<i32>} : memref<9x1024xi32, #tpu.memory_space<vmem>>, vector<16xi32>,
        %and3A_414 = arith.constant 65535 : i32
        %and3A_415 = vector.broadcast %and3A_414 : i32 to vector<16xi32>
        %and3A_416 = arith.andi %get3A_413, %and3A_415 : vector<16xi32>
        %shift_right_logical3A_417 = arith.constant 16 : i32
        %shift_right_logical3A_418 = vector.broadcast %shift_right_logical3A_417 : i32 to vector<16xi32>
        %shift_right_logical3A_419 = arith.shrui %get3A_413, %shift_right_logical3A_418 : vector<16xi32>
        %add3A_420 = arith.constant 0 : i32
        %add3A_421 = vector.broadcast %add3A_420 : i32 to vector<16xi32>
        %add3A_422 = arith.addi %and3A_416, %add3A_421 : vector<16xi32>
        %gather3A_423 = tpu.vector_load_idx %arg6[%add3A_422] : memref<32768xf32, #tpu.memory_space<vmem>>[vector<16xi32>], vector<16xf32>,
        %add3A_424 = arith.constant 0 : i32
        %add3A_425 = vector.broadcast %add3A_424 : i32 to vector<16xi32>
        %add3A_426 = arith.addi %shift_right_logical3A_419, %add3A_425 : vector<16xi32>
        %gather3A_427 = tpu.vector_load_idx %arg6[%add3A_426] : memref<32768xf32, #tpu.memory_space<vmem>>[vector<16xi32>], vector<16xf32>,
        %max3A_428 = arith.maximumf %max3A_396, %gather3A_423 : vector<16xf32>
        %max3A_429 = arith.maximumf %max3A_397, %gather3A_427 : vector<16xf32>
        %add3A_430 = arith.constant 16384 : i32
        %add3A_431 = vector.broadcast %add3A_430 : i32 to vector<16xi32>
        %add3A_432 = arith.addi %and3A_416, %add3A_431 : vector<16xi32>
        %gather3A_433 = tpu.vector_load_idx %arg6[%add3A_432] : memref<32768xf32, #tpu.memory_space<vmem>>[vector<16xi32>], vector<16xf32>,
        %add3A_434 = arith.constant 16384 : i32
        %add3A_435 = vector.broadcast %add3A_434 : i32 to vector<16xi32>
        %add3A_436 = arith.addi %shift_right_logical3A_419, %add3A_435 : vector<16xi32>
        %gather3A_437 = tpu.vector_load_idx %arg6[%add3A_436] : memref<32768xf32, #tpu.memory_space<vmem>>[vector<16xi32>], vector<16xf32>,
        %max3A_438 = arith.maximumf %max3A_406, %gather3A_433 : vector<16xf32>
        %max3A_439 = arith.maximumf %max3A_407, %gather3A_437 : vector<16xf32>
        %swap3A = arith.constant 0 : i32
        %swap3A_440 = arith.index_cast %swap3A : i32 to index
        %swap3A_441 = arith.index_cast %mul3A_160 : i32 to index
        %swap3A_442 = tpu.vector_load %arg8[%swap3A_440, %swap3A_441] {strides = array<i32>} : memref<2x2048xf32, #tpu.memory_space<vmem>>, vector<16xf32>,
        tpu.vector_store %arg8[%swap3A_440, %swap3A_441], %max3A_428 {strides = array<i32>} : memref<2x2048xf32, #tpu.memory_space<vmem>>, vector<16xf32>,
        %add3A_443 = arith.constant 16 : i32
        %add3A_444 = arith.addi %mul3A_160, %add3A_443 : i32
        %swap3A_445 = arith.constant 0 : i32
        %swap3A_446 = arith.index_cast %swap3A_445 : i32 to index
        %swap3A_447 = arith.index_cast %add3A_444 : i32 to index
        %swap3A_448 = tpu.vector_load %arg8[%swap3A_446, %swap3A_447] {strides = array<i32>} : memref<2x2048xf32, #tpu.memory_space<vmem>>, vector<16xf32>,
        tpu.vector_store %arg8[%swap3A_446, %swap3A_447], %max3A_429 {strides = array<i32>} : memref<2x2048xf32, #tpu.memory_space<vmem>>, vector<16xf32>,
        %swap3A_449 = arith.constant 1 : i32
        %swap3A_450 = arith.index_cast %swap3A_449 : i32 to index
        %swap3A_451 = arith.index_cast %mul3A_160 : i32 to index
        %swap3A_452 = tpu.vector_load %arg8[%swap3A_450, %swap3A_451] {strides = array<i32>} : memref<2x2048xf32, #tpu.memory_space<vmem>>, vector<16xf32>,
        tpu.vector_store %arg8[%swap3A_450, %swap3A_451], %max3A_438 {strides = array<i32>} : memref<2x2048xf32, #tpu.memory_space<vmem>>, vector<16xf32>,
        %add3A_453 = arith.constant 16 : i32
        %add3A_454 = arith.addi %mul3A_160, %add3A_453 : i32
        %swap3A_455 = arith.constant 1 : i32
        %swap3A_456 = arith.index_cast %swap3A_455 : i32 to index
        %swap3A_457 = arith.index_cast %add3A_454 : i32 to index
        %swap3A_458 = tpu.vector_load %arg8[%swap3A_456, %swap3A_457] {strides = array<i32>} : memref<2x2048xf32, #tpu.memory_space<vmem>>, vector<16xf32>,
        tpu.vector_store %arg8[%swap3A_456, %swap3A_457], %max3A_439 {strides = array<i32>} : memref<2x2048xf32, #tpu.memory_space<vmem>>, vector<16xf32>,
      }
      %scan3A_99 = arith.constant 64 : i32
      %mul3A_100 = arith.constant 2 : i32
      %mul3A_101 = arith.muli %mul3A_69, %mul3A_100 : i32
      %add3A_102 = arith.addi %mul3A_0, %mul3A_101 : i32
      %dma_start3A_103 = tpu.memref_slice %arg4[%add3A_102, %mul3A_2] : memref<3072x4096xf32, #tpu.memory_space<hbm>> -> memref<2x2048xf32, #tpu.memory_space<hbm>>
      %dma_start3A_104 = tpu.memref_slice %arg4[%add3A_102, %mul3A_2] : memref<3072x4096xf32, #tpu.memory_space<hbm>> -> memref<2x2048xf32, #tpu.memory_space<hbm>>
      tpu.enqueue_dma source(%arg8 : memref<2x2048xf32, #tpu.memory_space<vmem>>) target(%dma_start3A_104 : memref<2x2048xf32, #tpu.memory_space<hbm>>) target_semaphore(%arg12 : memref<!tpu.dma_semaphore, #tpu.memory_space<semaphore_mem>>)
      %add3A_105 = arith.constant 2 : i32
      %add3A_106 = arith.addi %mul3A_69, %add3A_105 : i32
      %lt3A = arith.constant 96 : i32
      %lt3A_107 = arith.cmpi slt, %add3A_106, %lt3A : i32
      %convert_element_type3A_108 = arith.extui %lt3A_107 : i1 to i32
      %cond3A_109 = arith.constant 0 : i32
      %cond3A_110 = arith.cmpi ne, %convert_element_type3A_108, %cond3A_109 : i32
      scf.if %cond3A_110 {
        %add3A_158 = arith.constant 2 : i32
        %add3A_159 = arith.addi %mul3A_69, %add3A_158 : i32
        %mul3A_160 = arith.constant 2 : i32
        %mul3A_161 = arith.muli %add3A_159, %mul3A_160 : i32
        %add3A_162 = arith.addi %mul3A_0, %mul3A_161 : i32
        %add3A_163 = arith.constant 0 : i32
        %add3A_164 = arith.addi %add3A_162, %add3A_163 : i32
        %dma_start3A_165 = arith.constant 0 : i32
        %dma_start3A_166 = tpu.memref_slice %arg6[%dma_start3A_165] : memref<32768xf32, #tpu.memory_space<vmem>> -> memref<16384xf32, #tpu.memory_space<vmem>>
        %dma_start3A_167 = arith.constant 0 : i32
        %dma_start3A_168 = tpu.memref_slice %arg2[%add3A_164, %dma_start3A_167] : memref<3072x16384xf32, #tpu.memory_space<hbm>> -> memref<1x16384xf32, #tpu.memory_space<hbm>>
        %dma_start3A_169 = tpu.memref_squeeze %dma_start3A_168 : memref<1x16384xf32, #tpu.memory_space<hbm>> -> memref<16384xf32, #tpu.memory_space<hbm>>
        %dma_start3A_170 = arith.constant 0 : i32
        %dma_start3A_171 = tpu.memref_slice %arg6[%dma_start3A_170] : memref<32768xf32, #tpu.memory_space<vmem>> -> memref<16384xf32, #tpu.memory_space<vmem>>
        %dma_start3A_172 = arith.constant 0 : i32
        %dma_start3A_173 = tpu.memref_slice %arg2[%add3A_164, %dma_start3A_172] : memref<3072x16384xf32, #tpu.memory_space<hbm>> -> memref<1x16384xf32, #tpu.memory_space<hbm>>
        %dma_start3A_174 = tpu.memref_squeeze %dma_start3A_173 : memref<1x16384xf32, #tpu.memory_space<hbm>> -> memref<16384xf32, #tpu.memory_space<hbm>>
        tpu.enqueue_dma source(%dma_start3A_174 : memref<16384xf32, #tpu.memory_space<hbm>>) target(%dma_start3A_171 : memref<16384xf32, #tpu.memory_space<vmem>>) target_semaphore(%arg10 : memref<!tpu.dma_semaphore, #tpu.memory_space<semaphore_mem>>)
        %add3A_175 = arith.constant 1 : i32
        %add3A_176 = arith.addi %add3A_162, %add3A_175 : i32
        %dma_start3A_177 = arith.constant 16384 : i32
        %dma_start3A_178 = tpu.memref_slice %arg6[%dma_start3A_177] : memref<32768xf32, #tpu.memory_space<vmem>> -> memref<16384xf32, #tpu.memory_space<vmem>>
        %dma_start3A_179 = arith.constant 0 : i32
        %dma_start3A_180 = tpu.memref_slice %arg2[%add3A_176, %dma_start3A_179] : memref<3072x16384xf32, #tpu.memory_space<hbm>> -> memref<1x16384xf32, #tpu.memory_space<hbm>>
        %dma_start3A_181 = tpu.memref_squeeze %dma_start3A_180 : memref<1x16384xf32, #tpu.memory_space<hbm>> -> memref<16384xf32, #tpu.memory_space<hbm>>
        %dma_start3A_182 = arith.constant 16384 : i32
        %dma_start3A_183 = tpu.memref_slice %arg6[%dma_start3A_182] : memref<32768xf32, #tpu.memory_space<vmem>> -> memref<16384xf32, #tpu.memory_space<vmem>>
        %dma_start3A_184 = arith.constant 0 : i32
        %dma_start3A_185 = tpu.memref_slice %arg2[%add3A_176, %dma_start3A_184] : memref<3072x16384xf32, #tpu.memory_space<hbm>> -> memref<1x16384xf32, #tpu.memory_space<hbm>>
        %dma_start3A_186 = tpu.memref_squeeze %dma_start3A_185 : memref<1x16384xf32, #tpu.memory_space<hbm>> -> memref<16384xf32, #tpu.memory_space<hbm>>
        tpu.enqueue_dma source(%dma_start3A_186 : memref<16384xf32, #tpu.memory_space<hbm>>) target(%dma_start3A_183 : memref<16384xf32, #tpu.memory_space<vmem>>) target_semaphore(%arg10 : memref<!tpu.dma_semaphore, #tpu.memory_space<semaphore_mem>>)
      } else {
      }
      %dma_wait3A_111 = arith.constant 0 : i32
      %dma_wait3A_112 = arith.constant 0 : i32
      %dma_wait3A_113 = tpu.memref_slice %arg7[%dma_wait3A_112] : memref<32768xf32, #tpu.memory_space<vmem>> -> memref<16384xf32, #tpu.memory_space<vmem>>
      %dma_wait3A_114 = arith.constant 0 : i32
      %dma_wait3A_115 = tpu.memref_slice %arg2[%dma_wait3A_111, %dma_wait3A_114] : memref<3072x16384xf32, #tpu.memory_space<hbm>> -> memref<1x16384xf32, #tpu.memory_space<hbm>>
      %dma_wait3A_116 = tpu.memref_squeeze %dma_wait3A_115 : memref<1x16384xf32, #tpu.memory_space<hbm>> -> memref<16384xf32, #tpu.memory_space<hbm>>
      %dma_wait3A_117 = arith.constant 0 : i32
      %dma_wait3A_118 = tpu.memref_slice %arg7[%dma_wait3A_117] : memref<32768xf32, #tpu.memory_space<vmem>> -> memref<16384xf32, #tpu.memory_space<vmem>>
      %dma_wait3A_119 = arith.constant 0 : i32
      %dma_wait3A_120 = tpu.memref_slice %arg2[%dma_wait3A_111, %dma_wait3A_119] : memref<3072x16384xf32, #tpu.memory_space<hbm>> -> memref<1x16384xf32, #tpu.memory_space<hbm>>
      %dma_wait3A_121 = tpu.memref_squeeze %dma_wait3A_120 : memref<1x16384xf32, #tpu.memory_space<hbm>> -> memref<16384xf32, #tpu.memory_space<hbm>>
      tpu.wait_dma2 semaphore(%arg11 : memref<!tpu.dma_semaphore, #tpu.memory_space<semaphore_mem>>) src(%dma_wait3A_121 : memref<16384xf32, #tpu.memory_space<hbm>>) dst(%dma_wait3A_118 : memref<16384xf32, #tpu.memory_space<vmem>>)
      %dma_wait3A_122 = arith.constant 0 : i32
      %dma_wait3A_123 = arith.constant 0 : i32
      %dma_wait3A_124 = tpu.memref_slice %arg7[%dma_wait3A_123] : memref<32768xf32, #tpu.memory_space<vmem>> -> memref<16384xf32, #tpu.memory_space<vmem>>
      %dma_wait3A_125 = arith.constant 0 : i32
      %dma_wait3A_126 = tpu.memref_slice %arg2[%dma_wait3A_122, %dma_wait3A_125] : memref<3072x16384xf32, #tpu.memory_space<hbm>> -> memref<1x16384xf32, #tpu.memory_space<hbm>>
      %dma_wait3A_127 = tpu.memref_squeeze %dma_wait3A_126 : memref<1x16384xf32, #tpu.memory_space<hbm>> -> memref<16384xf32, #tpu.memory_space<hbm>>
      %dma_wait3A_128 = arith.constant 0 : i32
      %dma_wait3A_129 = tpu.memref_slice %arg7[%dma_wait3A_128] : memref<32768xf32, #tpu.memory_space<vmem>> -> memref<16384xf32, #tpu.memory_space<vmem>>
      %dma_wait3A_130 = arith.constant 0 : i32
      %dma_wait3A_131 = tpu.memref_slice %arg2[%dma_wait3A_122, %dma_wait3A_130] : memref<3072x16384xf32, #tpu.memory_space<hbm>> -> memref<1x16384xf32, #tpu.memory_space<hbm>>
      %dma_wait3A_132 = tpu.memref_squeeze %dma_wait3A_131 : memref<1x16384xf32, #tpu.memory_space<hbm>> -> memref<16384xf32, #tpu.memory_space<hbm>>
      tpu.wait_dma2 semaphore(%arg11 : memref<!tpu.dma_semaphore, #tpu.memory_space<semaphore_mem>>) src(%dma_wait3A_132 : memref<16384xf32, #tpu.memory_space<hbm>>) dst(%dma_wait3A_129 : memref<16384xf32, #tpu.memory_space<vmem>>)
      %gt3A_133 = arith.constant 0 : i32
      %gt3A_134 = arith.cmpi sgt, %scan3A_67, %gt3A_133 : i32
      %convert_element_type3A_135 = arith.extui %gt3A_134 : i1 to i32
      %cond3A_136 = arith.constant 0 : i32
      %cond3A_137 = arith.cmpi ne, %convert_element_type3A_135, %cond3A_136 : i32
      scf.if %cond3A_137 {
        %dma_wait3A_158 = arith.constant 0 : i32
        %dma_wait3A_159 = tpu.memref_slice %arg4[%dma_wait3A_158, %mul3A_2] : memref<3072x4096xf32, #tpu.memory_space<hbm>> -> memref<2x2048xf32, #tpu.memory_space<hbm>>
        %dma_wait3A_160 = arith.constant 0 : i32
        %dma_wait3A_161 = tpu.memref_slice %arg4[%dma_wait3A_160, %mul3A_2] : memref<3072x4096xf32, #tpu.memory_space<hbm>> -> memref<2x2048xf32, #tpu.memory_space<hbm>>
        tpu.wait_dma2 semaphore(%arg13 : memref<!tpu.dma_semaphore, #tpu.memory_space<semaphore_mem>>) src(%arg9 : memref<2x2048xf32, #tpu.memory_space<vmem>>) dst(%dma_wait3A_161 : memref<2x2048xf32, #tpu.memory_space<hbm>>)
      } else {
      }
      %scan3A_138 = arith.constant 0 : i32
      %scan3A_139 = arith.constant 0 : i32
      %scan3A_140 = arith.constant 64 : i32
      %scan3A_141 = arith.addi %scan3A_139, %scan3A_140 : i32
      %scan3A_142 = arith.constant 1 : i32
      scf.for %scan3A_158 = %scan3A_139 to %scan3A_141 step %scan3A_142  : i32 {
        %mul3A_159 = arith.constant 32 : i32
        %mul3A_160 = arith.muli %scan3A_158, %mul3A_159 : i32
        %mul3A_161 = arith.constant 16 : i32
        %mul3A_162 = arith.muli %scan3A_158, %mul3A_161 : i32
        %get3A = arith.constant 0 : i32
        %get3A_163 = arith.index_cast %get3A : i32 to index
        %get3A_164 = arith.index_cast %mul3A_162 : i32 to index
        %get3A_165 = tpu.vector_load %arg5[%get3A_163, %get3A_164] {strides = array<i32>} : memref<9x1024xi32, #tpu.memory_space<vmem>>, vector<16xi32>,
        %and3A = arith.constant 65535 : i32
        %and3A_166 = vector.broadcast %and3A : i32 to vector<16xi32>
        %and3A_167 = arith.andi %get3A_165, %and3A_166 : vector<16xi32>
        %shift_right_logical3A = arith.constant 16 : i32
        %shift_right_logical3A_168 = vector.broadcast %shift_right_logical3A : i32 to vector<16xi32>
        %shift_right_logical3A_169 = arith.shrui %get3A_165, %shift_right_logical3A_168 : vector<16xi32>
        %add3A_170 = arith.constant 0 : i32
        %add3A_171 = vector.broadcast %add3A_170 : i32 to vector<16xi32>
        %add3A_172 = arith.addi %and3A_167, %add3A_171 : vector<16xi32>
        %gather3A = tpu.vector_load_idx %arg7[%add3A_172] : memref<32768xf32, #tpu.memory_space<vmem>>[vector<16xi32>], vector<16xf32>,
        %add3A_173 = arith.constant 0 : i32
        %add3A_174 = vector.broadcast %add3A_173 : i32 to vector<16xi32>
        %add3A_175 = arith.addi %shift_right_logical3A_169, %add3A_174 : vector<16xi32>
        %gather3A_176 = tpu.vector_load_idx %arg7[%add3A_175] : memref<32768xf32, #tpu.memory_space<vmem>>[vector<16xi32>], vector<16xf32>,
        %add3A_177 = arith.constant 16384 : i32
        %add3A_178 = vector.broadcast %add3A_177 : i32 to vector<16xi32>
        %add3A_179 = arith.addi %and3A_167, %add3A_178 : vector<16xi32>
        %gather3A_180 = tpu.vector_load_idx %arg7[%add3A_179] : memref<32768xf32, #tpu.memory_space<vmem>>[vector<16xi32>], vector<16xf32>,
        %add3A_181 = arith.constant 16384 : i32
        %add3A_182 = vector.broadcast %add3A_181 : i32 to vector<16xi32>
        %add3A_183 = arith.addi %shift_right_logical3A_169, %add3A_182 : vector<16xi32>
        %gather3A_184 = tpu.vector_load_idx %arg7[%add3A_183] : memref<32768xf32, #tpu.memory_space<vmem>>[vector<16xi32>], vector<16xf32>,
        %mul3A_185 = arith.constant 16 : i32
        %mul3A_186 = arith.muli %scan3A_158, %mul3A_185 : i32
        %get3A_187 = arith.constant 1 : i32
        %get3A_188 = arith.index_cast %get3A_187 : i32 to index
        %get3A_189 = arith.index_cast %mul3A_186 : i32 to index
        %get3A_190 = tpu.vector_load %arg5[%get3A_188, %get3A_189] {strides = array<i32>} : memref<9x1024xi32, #tpu.memory_space<vmem>>, vector<16xi32>,
        %and3A_191 = arith.constant 65535 : i32
        %and3A_192 = vector.broadcast %and3A_191 : i32 to vector<16xi32>
        %and3A_193 = arith.andi %get3A_190, %and3A_192 : vector<16xi32>
        %shift_right_logical3A_194 = arith.constant 16 : i32
        %shift_right_logical3A_195 = vector.broadcast %shift_right_logical3A_194 : i32 to vector<16xi32>
        %shift_right_logical3A_196 = arith.shrui %get3A_190, %shift_right_logical3A_195 : vector<16xi32>
        %add3A_197 = arith.constant 0 : i32
        %add3A_198 = vector.broadcast %add3A_197 : i32 to vector<16xi32>
        %add3A_199 = arith.addi %and3A_193, %add3A_198 : vector<16xi32>
        %gather3A_200 = tpu.vector_load_idx %arg7[%add3A_199] : memref<32768xf32, #tpu.memory_space<vmem>>[vector<16xi32>], vector<16xf32>,
        %add3A_201 = arith.constant 0 : i32
        %add3A_202 = vector.broadcast %add3A_201 : i32 to vector<16xi32>
        %add3A_203 = arith.addi %shift_right_logical3A_196, %add3A_202 : vector<16xi32>
        %gather3A_204 = tpu.vector_load_idx %arg7[%add3A_203] : memref<32768xf32, #tpu.memory_space<vmem>>[vector<16xi32>], vector<16xf32>,
        %max3A = arith.maximumf %gather3A, %gather3A_200 : vector<16xf32>
        %max3A_205 = arith.maximumf %gather3A_176, %gather3A_204 : vector<16xf32>
        %add3A_206 = arith.constant 16384 : i32
        %add3A_207 = vector.broadcast %add3A_206 : i32 to vector<16xi32>
        %add3A_208 = arith.addi %and3A_193, %add3A_207 : vector<16xi32>
        %gather3A_209 = tpu.vector_load_idx %arg7[%add3A_208] : memref<32768xf32, #tpu.memory_space<vmem>>[vector<16xi32>], vector<16xf32>,
        %add3A_210 = arith.constant 16384 : i32
        %add3A_211 = vector.broadcast %add3A_210 : i32 to vector<16xi32>
        %add3A_212 = arith.addi %shift_right_logical3A_196, %add3A_211 : vector<16xi32>
        %gather3A_213 = tpu.vector_load_idx %arg7[%add3A_212] : memref<32768xf32, #tpu.memory_space<vmem>>[vector<16xi32>], vector<16xf32>,
        %max3A_214 = arith.maximumf %gather3A_180, %gather3A_209 : vector<16xf32>
        %max3A_215 = arith.maximumf %gather3A_184, %gather3A_213 : vector<16xf32>
        %mul3A_216 = arith.constant 16 : i32
        %mul3A_217 = arith.muli %scan3A_158, %mul3A_216 : i32
        %get3A_218 = arith.constant 2 : i32
        %get3A_219 = arith.index_cast %get3A_218 : i32 to index
        %get3A_220 = arith.index_cast %mul3A_217 : i32 to index
        %get3A_221 = tpu.vector_load %arg5[%get3A_219, %get3A_220] {strides = array<i32>} : memref<9x1024xi32, #tpu.memory_space<vmem>>, vector<16xi32>,
        %and3A_222 = arith.constant 65535 : i32
        %and3A_223 = vector.broadcast %and3A_222 : i32 to vector<16xi32>
        %and3A_224 = arith.andi %get3A_221, %and3A_223 : vector<16xi32>
        %shift_right_logical3A_225 = arith.constant 16 : i32
        %shift_right_logical3A_226 = vector.broadcast %shift_right_logical3A_225 : i32 to vector<16xi32>
        %shift_right_logical3A_227 = arith.shrui %get3A_221, %shift_right_logical3A_226 : vector<16xi32>
        %add3A_228 = arith.constant 0 : i32
        %add3A_229 = vector.broadcast %add3A_228 : i32 to vector<16xi32>
        %add3A_230 = arith.addi %and3A_224, %add3A_229 : vector<16xi32>
        %gather3A_231 = tpu.vector_load_idx %arg7[%add3A_230] : memref<32768xf32, #tpu.memory_space<vmem>>[vector<16xi32>], vector<16xf32>,
        %add3A_232 = arith.constant 0 : i32
        %add3A_233 = vector.broadcast %add3A_232 : i32 to vector<16xi32>
        %add3A_234 = arith.addi %shift_right_logical3A_227, %add3A_233 : vector<16xi32>
        %gather3A_235 = tpu.vector_load_idx %arg7[%add3A_234] : memref<32768xf32, #tpu.memory_space<vmem>>[vector<16xi32>], vector<16xf32>,
        %max3A_236 = arith.maximumf %max3A, %gather3A_231 : vector<16xf32>
        %max3A_237 = arith.maximumf %max3A_205, %gather3A_235 : vector<16xf32>
        %add3A_238 = arith.constant 16384 : i32
        %add3A_239 = vector.broadcast %add3A_238 : i32 to vector<16xi32>
        %add3A_240 = arith.addi %and3A_224, %add3A_239 : vector<16xi32>
        %gather3A_241 = tpu.vector_load_idx %arg7[%add3A_240] : memref<32768xf32, #tpu.memory_space<vmem>>[vector<16xi32>], vector<16xf32>,
        %add3A_242 = arith.constant 16384 : i32
        %add3A_243 = vector.broadcast %add3A_242 : i32 to vector<16xi32>
        %add3A_244 = arith.addi %shift_right_logical3A_227, %add3A_243 : vector<16xi32>
        %gather3A_245 = tpu.vector_load_idx %arg7[%add3A_244] : memref<32768xf32, #tpu.memory_space<vmem>>[vector<16xi32>], vector<16xf32>,
        %max3A_246 = arith.maximumf %max3A_214, %gather3A_241 : vector<16xf32>
        %max3A_247 = arith.maximumf %max3A_215, %gather3A_245 : vector<16xf32>
        %mul3A_248 = arith.constant 16 : i32
        %mul3A_249 = arith.muli %scan3A_158, %mul3A_248 : i32
        %get3A_250 = arith.constant 3 : i32
        %get3A_251 = arith.index_cast %get3A_250 : i32 to index
        %get3A_252 = arith.index_cast %mul3A_249 : i32 to index
        %get3A_253 = tpu.vector_load %arg5[%get3A_251, %get3A_252] {strides = array<i32>} : memref<9x1024xi32, #tpu.memory_space<vmem>>, vector<16xi32>,
        %and3A_254 = arith.constant 65535 : i32
        %and3A_255 = vector.broadcast %and3A_254 : i32 to vector<16xi32>
        %and3A_256 = arith.andi %get3A_253, %and3A_255 : vector<16xi32>
        %shift_right_logical3A_257 = arith.constant 16 : i32
        %shift_right_logical3A_258 = vector.broadcast %shift_right_logical3A_257 : i32 to vector<16xi32>
        %shift_right_logical3A_259 = arith.shrui %get3A_253, %shift_right_logical3A_258 : vector<16xi32>
        %add3A_260 = arith.constant 0 : i32
        %add3A_261 = vector.broadcast %add3A_260 : i32 to vector<16xi32>
        %add3A_262 = arith.addi %and3A_256, %add3A_261 : vector<16xi32>
        %gather3A_263 = tpu.vector_load_idx %arg7[%add3A_262] : memref<32768xf32, #tpu.memory_space<vmem>>[vector<16xi32>], vector<16xf32>,
        %add3A_264 = arith.constant 0 : i32
        %add3A_265 = vector.broadcast %add3A_264 : i32 to vector<16xi32>
        %add3A_266 = arith.addi %shift_right_logical3A_259, %add3A_265 : vector<16xi32>
        %gather3A_267 = tpu.vector_load_idx %arg7[%add3A_266] : memref<32768xf32, #tpu.memory_space<vmem>>[vector<16xi32>], vector<16xf32>,
        %max3A_268 = arith.maximumf %max3A_236, %gather3A_263 : vector<16xf32>
        %max3A_269 = arith.maximumf %max3A_237, %gather3A_267 : vector<16xf32>
        %add3A_270 = arith.constant 16384 : i32
        %add3A_271 = vector.broadcast %add3A_270 : i32 to vector<16xi32>
        %add3A_272 = arith.addi %and3A_256, %add3A_271 : vector<16xi32>
        %gather3A_273 = tpu.vector_load_idx %arg7[%add3A_272] : memref<32768xf32, #tpu.memory_space<vmem>>[vector<16xi32>], vector<16xf32>,
        %add3A_274 = arith.constant 16384 : i32
        %add3A_275 = vector.broadcast %add3A_274 : i32 to vector<16xi32>
        %add3A_276 = arith.addi %shift_right_logical3A_259, %add3A_275 : vector<16xi32>
        %gather3A_277 = tpu.vector_load_idx %arg7[%add3A_276] : memref<32768xf32, #tpu.memory_space<vmem>>[vector<16xi32>], vector<16xf32>,
        %max3A_278 = arith.maximumf %max3A_246, %gather3A_273 : vector<16xf32>
        %max3A_279 = arith.maximumf %max3A_247, %gather3A_277 : vector<16xf32>
        %mul3A_280 = arith.constant 16 : i32
        %mul3A_281 = arith.muli %scan3A_158, %mul3A_280 : i32
        %get3A_282 = arith.constant 4 : i32
        %get3A_283 = arith.index_cast %get3A_282 : i32 to index
        %get3A_284 = arith.index_cast %mul3A_281 : i32 to index
        %get3A_285 = tpu.vector_load %arg5[%get3A_283, %get3A_284] {strides = array<i32>} : memref<9x1024xi32, #tpu.memory_space<vmem>>, vector<16xi32>,
        %and3A_286 = arith.constant 65535 : i32
        %and3A_287 = vector.broadcast %and3A_286 : i32 to vector<16xi32>
        %and3A_288 = arith.andi %get3A_285, %and3A_287 : vector<16xi32>
        %shift_right_logical3A_289 = arith.constant 16 : i32
        %shift_right_logical3A_290 = vector.broadcast %shift_right_logical3A_289 : i32 to vector<16xi32>
        %shift_right_logical3A_291 = arith.shrui %get3A_285, %shift_right_logical3A_290 : vector<16xi32>
        %add3A_292 = arith.constant 0 : i32
        %add3A_293 = vector.broadcast %add3A_292 : i32 to vector<16xi32>
        %add3A_294 = arith.addi %and3A_288, %add3A_293 : vector<16xi32>
        %gather3A_295 = tpu.vector_load_idx %arg7[%add3A_294] : memref<32768xf32, #tpu.memory_space<vmem>>[vector<16xi32>], vector<16xf32>,
        %add3A_296 = arith.constant 0 : i32
        %add3A_297 = vector.broadcast %add3A_296 : i32 to vector<16xi32>
        %add3A_298 = arith.addi %shift_right_logical3A_291, %add3A_297 : vector<16xi32>
        %gather3A_299 = tpu.vector_load_idx %arg7[%add3A_298] : memref<32768xf32, #tpu.memory_space<vmem>>[vector<16xi32>], vector<16xf32>,
        %max3A_300 = arith.maximumf %max3A_268, %gather3A_295 : vector<16xf32>
        %max3A_301 = arith.maximumf %max3A_269, %gather3A_299 : vector<16xf32>
        %add3A_302 = arith.constant 16384 : i32
        %add3A_303 = vector.broadcast %add3A_302 : i32 to vector<16xi32>
        %add3A_304 = arith.addi %and3A_288, %add3A_303 : vector<16xi32>
        %gather3A_305 = tpu.vector_load_idx %arg7[%add3A_304] : memref<32768xf32, #tpu.memory_space<vmem>>[vector<16xi32>], vector<16xf32>,
        %add3A_306 = arith.constant 16384 : i32
        %add3A_307 = vector.broadcast %add3A_306 : i32 to vector<16xi32>
        %add3A_308 = arith.addi %shift_right_logical3A_291, %add3A_307 : vector<16xi32>
        %gather3A_309 = tpu.vector_load_idx %arg7[%add3A_308] : memref<32768xf32, #tpu.memory_space<vmem>>[vector<16xi32>], vector<16xf32>,
        %max3A_310 = arith.maximumf %max3A_278, %gather3A_305 : vector<16xf32>
        %max3A_311 = arith.maximumf %max3A_279, %gather3A_309 : vector<16xf32>
        %mul3A_312 = arith.constant 16 : i32
        %mul3A_313 = arith.muli %scan3A_158, %mul3A_312 : i32
        %get3A_314 = arith.constant 5 : i32
        %get3A_315 = arith.index_cast %get3A_314 : i32 to index
        %get3A_316 = arith.index_cast %mul3A_313 : i32 to index
        %get3A_317 = tpu.vector_load %arg5[%get3A_315, %get3A_316] {strides = array<i32>} : memref<9x1024xi32, #tpu.memory_space<vmem>>, vector<16xi32>,
        %and3A_318 = arith.constant 65535 : i32
        %and3A_319 = vector.broadcast %and3A_318 : i32 to vector<16xi32>
        %and3A_320 = arith.andi %get3A_317, %and3A_319 : vector<16xi32>
        %shift_right_logical3A_321 = arith.constant 16 : i32
        %shift_right_logical3A_322 = vector.broadcast %shift_right_logical3A_321 : i32 to vector<16xi32>
        %shift_right_logical3A_323 = arith.shrui %get3A_317, %shift_right_logical3A_322 : vector<16xi32>
        %add3A_324 = arith.constant 0 : i32
        %add3A_325 = vector.broadcast %add3A_324 : i32 to vector<16xi32>
        %add3A_326 = arith.addi %and3A_320, %add3A_325 : vector<16xi32>
        %gather3A_327 = tpu.vector_load_idx %arg7[%add3A_326] : memref<32768xf32, #tpu.memory_space<vmem>>[vector<16xi32>], vector<16xf32>,
        %add3A_328 = arith.constant 0 : i32
        %add3A_329 = vector.broadcast %add3A_328 : i32 to vector<16xi32>
        %add3A_330 = arith.addi %shift_right_logical3A_323, %add3A_329 : vector<16xi32>
        %gather3A_331 = tpu.vector_load_idx %arg7[%add3A_330] : memref<32768xf32, #tpu.memory_space<vmem>>[vector<16xi32>], vector<16xf32>,
        %max3A_332 = arith.maximumf %max3A_300, %gather3A_327 : vector<16xf32>
        %max3A_333 = arith.maximumf %max3A_301, %gather3A_331 : vector<16xf32>
        %add3A_334 = arith.constant 16384 : i32
        %add3A_335 = vector.broadcast %add3A_334 : i32 to vector<16xi32>
        %add3A_336 = arith.addi %and3A_320, %add3A_335 : vector<16xi32>
        %gather3A_337 = tpu.vector_load_idx %arg7[%add3A_336] : memref<32768xf32, #tpu.memory_space<vmem>>[vector<16xi32>], vector<16xf32>,
        %add3A_338 = arith.constant 16384 : i32
        %add3A_339 = vector.broadcast %add3A_338 : i32 to vector<16xi32>
        %add3A_340 = arith.addi %shift_right_logical3A_323, %add3A_339 : vector<16xi32>
        %gather3A_341 = tpu.vector_load_idx %arg7[%add3A_340] : memref<32768xf32, #tpu.memory_space<vmem>>[vector<16xi32>], vector<16xf32>,
        %max3A_342 = arith.maximumf %max3A_310, %gather3A_337 : vector<16xf32>
        %max3A_343 = arith.maximumf %max3A_311, %gather3A_341 : vector<16xf32>
        %mul3A_344 = arith.constant 16 : i32
        %mul3A_345 = arith.muli %scan3A_158, %mul3A_344 : i32
        %get3A_346 = arith.constant 6 : i32
        %get3A_347 = arith.index_cast %get3A_346 : i32 to index
        %get3A_348 = arith.index_cast %mul3A_345 : i32 to index
        %get3A_349 = tpu.vector_load %arg5[%get3A_347, %get3A_348] {strides = array<i32>} : memref<9x1024xi32, #tpu.memory_space<vmem>>, vector<16xi32>,
        %and3A_350 = arith.constant 65535 : i32
        %and3A_351 = vector.broadcast %and3A_350 : i32 to vector<16xi32>
        %and3A_352 = arith.andi %get3A_349, %and3A_351 : vector<16xi32>
        %shift_right_logical3A_353 = arith.constant 16 : i32
        %shift_right_logical3A_354 = vector.broadcast %shift_right_logical3A_353 : i32 to vector<16xi32>
        %shift_right_logical3A_355 = arith.shrui %get3A_349, %shift_right_logical3A_354 : vector<16xi32>
        %add3A_356 = arith.constant 0 : i32
        %add3A_357 = vector.broadcast %add3A_356 : i32 to vector<16xi32>
        %add3A_358 = arith.addi %and3A_352, %add3A_357 : vector<16xi32>
        %gather3A_359 = tpu.vector_load_idx %arg7[%add3A_358] : memref<32768xf32, #tpu.memory_space<vmem>>[vector<16xi32>], vector<16xf32>,
        %add3A_360 = arith.constant 0 : i32
        %add3A_361 = vector.broadcast %add3A_360 : i32 to vector<16xi32>
        %add3A_362 = arith.addi %shift_right_logical3A_355, %add3A_361 : vector<16xi32>
        %gather3A_363 = tpu.vector_load_idx %arg7[%add3A_362] : memref<32768xf32, #tpu.memory_space<vmem>>[vector<16xi32>], vector<16xf32>,
        %max3A_364 = arith.maximumf %max3A_332, %gather3A_359 : vector<16xf32>
        %max3A_365 = arith.maximumf %max3A_333, %gather3A_363 : vector<16xf32>
        %add3A_366 = arith.constant 16384 : i32
        %add3A_367 = vector.broadcast %add3A_366 : i32 to vector<16xi32>
        %add3A_368 = arith.addi %and3A_352, %add3A_367 : vector<16xi32>
        %gather3A_369 = tpu.vector_load_idx %arg7[%add3A_368] : memref<32768xf32, #tpu.memory_space<vmem>>[vector<16xi32>], vector<16xf32>,
        %add3A_370 = arith.constant 16384 : i32
        %add3A_371 = vector.broadcast %add3A_370 : i32 to vector<16xi32>
        %add3A_372 = arith.addi %shift_right_logical3A_355, %add3A_371 : vector<16xi32>
        %gather3A_373 = tpu.vector_load_idx %arg7[%add3A_372] : memref<32768xf32, #tpu.memory_space<vmem>>[vector<16xi32>], vector<16xf32>,
        %max3A_374 = arith.maximumf %max3A_342, %gather3A_369 : vector<16xf32>
        %max3A_375 = arith.maximumf %max3A_343, %gather3A_373 : vector<16xf32>
        %mul3A_376 = arith.constant 16 : i32
        %mul3A_377 = arith.muli %scan3A_158, %mul3A_376 : i32
        %get3A_378 = arith.constant 7 : i32
        %get3A_379 = arith.index_cast %get3A_378 : i32 to index
        %get3A_380 = arith.index_cast %mul3A_377 : i32 to index
        %get3A_381 = tpu.vector_load %arg5[%get3A_379, %get3A_380] {strides = array<i32>} : memref<9x1024xi32, #tpu.memory_space<vmem>>, vector<16xi32>,
        %and3A_382 = arith.constant 65535 : i32
        %and3A_383 = vector.broadcast %and3A_382 : i32 to vector<16xi32>
        %and3A_384 = arith.andi %get3A_381, %and3A_383 : vector<16xi32>
        %shift_right_logical3A_385 = arith.constant 16 : i32
        %shift_right_logical3A_386 = vector.broadcast %shift_right_logical3A_385 : i32 to vector<16xi32>
        %shift_right_logical3A_387 = arith.shrui %get3A_381, %shift_right_logical3A_386 : vector<16xi32>
        %add3A_388 = arith.constant 0 : i32
        %add3A_389 = vector.broadcast %add3A_388 : i32 to vector<16xi32>
        %add3A_390 = arith.addi %and3A_384, %add3A_389 : vector<16xi32>
        %gather3A_391 = tpu.vector_load_idx %arg7[%add3A_390] : memref<32768xf32, #tpu.memory_space<vmem>>[vector<16xi32>], vector<16xf32>,
        %add3A_392 = arith.constant 0 : i32
        %add3A_393 = vector.broadcast %add3A_392 : i32 to vector<16xi32>
        %add3A_394 = arith.addi %shift_right_logical3A_387, %add3A_393 : vector<16xi32>
        %gather3A_395 = tpu.vector_load_idx %arg7[%add3A_394] : memref<32768xf32, #tpu.memory_space<vmem>>[vector<16xi32>], vector<16xf32>,
        %max3A_396 = arith.maximumf %max3A_364, %gather3A_391 : vector<16xf32>
        %max3A_397 = arith.maximumf %max3A_365, %gather3A_395 : vector<16xf32>
        %add3A_398 = arith.constant 16384 : i32
        %add3A_399 = vector.broadcast %add3A_398 : i32 to vector<16xi32>
        %add3A_400 = arith.addi %and3A_384, %add3A_399 : vector<16xi32>
        %gather3A_401 = tpu.vector_load_idx %arg7[%add3A_400] : memref<32768xf32, #tpu.memory_space<vmem>>[vector<16xi32>], vector<16xf32>,
        %add3A_402 = arith.constant 16384 : i32
        %add3A_403 = vector.broadcast %add3A_402 : i32 to vector<16xi32>
        %add3A_404 = arith.addi %shift_right_logical3A_387, %add3A_403 : vector<16xi32>
        %gather3A_405 = tpu.vector_load_idx %arg7[%add3A_404] : memref<32768xf32, #tpu.memory_space<vmem>>[vector<16xi32>], vector<16xf32>,
        %max3A_406 = arith.maximumf %max3A_374, %gather3A_401 : vector<16xf32>
        %max3A_407 = arith.maximumf %max3A_375, %gather3A_405 : vector<16xf32>
        %mul3A_408 = arith.constant 16 : i32
        %mul3A_409 = arith.muli %scan3A_158, %mul3A_408 : i32
        %get3A_410 = arith.constant 8 : i32
        %get3A_411 = arith.index_cast %get3A_410 : i32 to index
        %get3A_412 = arith.index_cast %mul3A_409 : i32 to index
        %get3A_413 = tpu.vector_load %arg5[%get3A_411, %get3A_412] {strides = array<i32>} : memref<9x1024xi32, #tpu.memory_space<vmem>>, vector<16xi32>,
        %and3A_414 = arith.constant 65535 : i32
        %and3A_415 = vector.broadcast %and3A_414 : i32 to vector<16xi32>
        %and3A_416 = arith.andi %get3A_413, %and3A_415 : vector<16xi32>
        %shift_right_logical3A_417 = arith.constant 16 : i32
        %shift_right_logical3A_418 = vector.broadcast %shift_right_logical3A_417 : i32 to vector<16xi32>
        %shift_right_logical3A_419 = arith.shrui %get3A_413, %shift_right_logical3A_418 : vector<16xi32>
        %add3A_420 = arith.constant 0 : i32
        %add3A_421 = vector.broadcast %add3A_420 : i32 to vector<16xi32>
        %add3A_422 = arith.addi %and3A_416, %add3A_421 : vector<16xi32>
        %gather3A_423 = tpu.vector_load_idx %arg7[%add3A_422] : memref<32768xf32, #tpu.memory_space<vmem>>[vector<16xi32>], vector<16xf32>,
        %add3A_424 = arith.constant 0 : i32
        %add3A_425 = vector.broadcast %add3A_424 : i32 to vector<16xi32>
        %add3A_426 = arith.addi %shift_right_logical3A_419, %add3A_425 : vector<16xi32>
        %gather3A_427 = tpu.vector_load_idx %arg7[%add3A_426] : memref<32768xf32, #tpu.memory_space<vmem>>[vector<16xi32>], vector<16xf32>,
        %max3A_428 = arith.maximumf %max3A_396, %gather3A_423 : vector<16xf32>
        %max3A_429 = arith.maximumf %max3A_397, %gather3A_427 : vector<16xf32>
        %add3A_430 = arith.constant 16384 : i32
        %add3A_431 = vector.broadcast %add3A_430 : i32 to vector<16xi32>
        %add3A_432 = arith.addi %and3A_416, %add3A_431 : vector<16xi32>
        %gather3A_433 = tpu.vector_load_idx %arg7[%add3A_432] : memref<32768xf32, #tpu.memory_space<vmem>>[vector<16xi32>], vector<16xf32>,
        %add3A_434 = arith.constant 16384 : i32
        %add3A_435 = vector.broadcast %add3A_434 : i32 to vector<16xi32>
        %add3A_436 = arith.addi %shift_right_logical3A_419, %add3A_435 : vector<16xi32>
        %gather3A_437 = tpu.vector_load_idx %arg7[%add3A_436] : memref<32768xf32, #tpu.memory_space<vmem>>[vector<16xi32>], vector<16xf32>,
        %max3A_438 = arith.maximumf %max3A_406, %gather3A_433 : vector<16xf32>
        %max3A_439 = arith.maximumf %max3A_407, %gather3A_437 : vector<16xf32>
        %swap3A = arith.constant 0 : i32
        %swap3A_440 = arith.index_cast %swap3A : i32 to index
        %swap3A_441 = arith.index_cast %mul3A_160 : i32 to index
        %swap3A_442 = tpu.vector_load %arg9[%swap3A_440, %swap3A_441] {strides = array<i32>} : memref<2x2048xf32, #tpu.memory_space<vmem>>, vector<16xf32>,
        tpu.vector_store %arg9[%swap3A_440, %swap3A_441], %max3A_428 {strides = array<i32>} : memref<2x2048xf32, #tpu.memory_space<vmem>>, vector<16xf32>,
        %add3A_443 = arith.constant 16 : i32
        %add3A_444 = arith.addi %mul3A_160, %add3A_443 : i32
        %swap3A_445 = arith.constant 0 : i32
        %swap3A_446 = arith.index_cast %swap3A_445 : i32 to index
        %swap3A_447 = arith.index_cast %add3A_444 : i32 to index
        %swap3A_448 = tpu.vector_load %arg9[%swap3A_446, %swap3A_447] {strides = array<i32>} : memref<2x2048xf32, #tpu.memory_space<vmem>>, vector<16xf32>,
        tpu.vector_store %arg9[%swap3A_446, %swap3A_447], %max3A_429 {strides = array<i32>} : memref<2x2048xf32, #tpu.memory_space<vmem>>, vector<16xf32>,
        %swap3A_449 = arith.constant 1 : i32
        %swap3A_450 = arith.index_cast %swap3A_449 : i32 to index
        %swap3A_451 = arith.index_cast %mul3A_160 : i32 to index
        %swap3A_452 = tpu.vector_load %arg9[%swap3A_450, %swap3A_451] {strides = array<i32>} : memref<2x2048xf32, #tpu.memory_space<vmem>>, vector<16xf32>,
        tpu.vector_store %arg9[%swap3A_450, %swap3A_451], %max3A_438 {strides = array<i32>} : memref<2x2048xf32, #tpu.memory_space<vmem>>, vector<16xf32>,
        %add3A_453 = arith.constant 16 : i32
        %add3A_454 = arith.addi %mul3A_160, %add3A_453 : i32
        %swap3A_455 = arith.constant 1 : i32
        %swap3A_456 = arith.index_cast %swap3A_455 : i32 to index
        %swap3A_457 = arith.index_cast %add3A_454 : i32 to index
        %swap3A_458 = tpu.vector_load %arg9[%swap3A_456, %swap3A_457] {strides = array<i32>} : memref<2x2048xf32, #tpu.memory_space<vmem>>, vector<16xf32>,
        tpu.vector_store %arg9[%swap3A_456, %swap3A_457], %max3A_439 {strides = array<i32>} : memref<2x2048xf32, #tpu.memory_space<vmem>>, vector<16xf32>,
      }
      %scan3A_143 = arith.constant 64 : i32
      %add3A_144 = arith.constant 1 : i32
      %add3A_145 = arith.addi %mul3A_69, %add3A_144 : i32
      %mul3A_146 = arith.constant 2 : i32
      %mul3A_147 = arith.muli %add3A_145, %mul3A_146 : i32
      %add3A_148 = arith.addi %mul3A_0, %mul3A_147 : i32
      %dma_start3A_149 = tpu.memref_slice %arg4[%add3A_148, %mul3A_2] : memref<3072x4096xf32, #tpu.memory_space<hbm>> -> memref<2x2048xf32, #tpu.memory_space<hbm>>
      %dma_start3A_150 = tpu.memref_slice %arg4[%add3A_148, %mul3A_2] : memref<3072x4096xf32, #tpu.memory_space<hbm>> -> memref<2x2048xf32, #tpu.memory_space<hbm>>
      tpu.enqueue_dma source(%arg9 : memref<2x2048xf32, #tpu.memory_space<vmem>>) target(%dma_start3A_150 : memref<2x2048xf32, #tpu.memory_space<hbm>>) target_semaphore(%arg13 : memref<!tpu.dma_semaphore, #tpu.memory_space<semaphore_mem>>)
      %add3A_151 = arith.constant 3 : i32
      %add3A_152 = arith.addi %mul3A_69, %add3A_151 : i32
      %lt3A_153 = arith.constant 96 : i32
      %lt3A_154 = arith.cmpi slt, %add3A_152, %lt3A_153 : i32
      %convert_element_type3A_155 = arith.extui %lt3A_154 : i1 to i32
      %cond3A_156 = arith.constant 0 : i32
      %cond3A_157 = arith.cmpi ne, %convert_element_type3A_155, %cond3A_156 : i32
      scf.if %cond3A_157 {
        %add3A_158 = arith.constant 3 : i32
        %add3A_159 = arith.addi %mul3A_69, %add3A_158 : i32
        %mul3A_160 = arith.constant 2 : i32
        %mul3A_161 = arith.muli %add3A_159, %mul3A_160 : i32
        %add3A_162 = arith.addi %mul3A_0, %mul3A_161 : i32
        %add3A_163 = arith.constant 0 : i32
        %add3A_164 = arith.addi %add3A_162, %add3A_163 : i32
        %dma_start3A_165 = arith.constant 0 : i32
        %dma_start3A_166 = tpu.memref_slice %arg7[%dma_start3A_165] : memref<32768xf32, #tpu.memory_space<vmem>> -> memref<16384xf32, #tpu.memory_space<vmem>>
        %dma_start3A_167 = arith.constant 0 : i32
        %dma_start3A_168 = tpu.memref_slice %arg2[%add3A_164, %dma_start3A_167] : memref<3072x16384xf32, #tpu.memory_space<hbm>> -> memref<1x16384xf32, #tpu.memory_space<hbm>>
        %dma_start3A_169 = tpu.memref_squeeze %dma_start3A_168 : memref<1x16384xf32, #tpu.memory_space<hbm>> -> memref<16384xf32, #tpu.memory_space<hbm>>
        %dma_start3A_170 = arith.constant 0 : i32
        %dma_start3A_171 = tpu.memref_slice %arg7[%dma_start3A_170] : memref<32768xf32, #tpu.memory_space<vmem>> -> memref<16384xf32, #tpu.memory_space<vmem>>
        %dma_start3A_172 = arith.constant 0 : i32
        %dma_start3A_173 = tpu.memref_slice %arg2[%add3A_164, %dma_start3A_172] : memref<3072x16384xf32, #tpu.memory_space<hbm>> -> memref<1x16384xf32, #tpu.memory_space<hbm>>
        %dma_start3A_174 = tpu.memref_squeeze %dma_start3A_173 : memref<1x16384xf32, #tpu.memory_space<hbm>> -> memref<16384xf32, #tpu.memory_space<hbm>>
        tpu.enqueue_dma source(%dma_start3A_174 : memref<16384xf32, #tpu.memory_space<hbm>>) target(%dma_start3A_171 : memref<16384xf32, #tpu.memory_space<vmem>>) target_semaphore(%arg11 : memref<!tpu.dma_semaphore, #tpu.memory_space<semaphore_mem>>)
        %add3A_175 = arith.constant 1 : i32
        %add3A_176 = arith.addi %add3A_162, %add3A_175 : i32
        %dma_start3A_177 = arith.constant 16384 : i32
        %dma_start3A_178 = tpu.memref_slice %arg7[%dma_start3A_177] : memref<32768xf32, #tpu.memory_space<vmem>> -> memref<16384xf32, #tpu.memory_space<vmem>>
        %dma_start3A_179 = arith.constant 0 : i32
        %dma_start3A_180 = tpu.memref_slice %arg2[%add3A_176, %dma_start3A_179] : memref<3072x16384xf32, #tpu.memory_space<hbm>> -> memref<1x16384xf32, #tpu.memory_space<hbm>>
        %dma_start3A_181 = tpu.memref_squeeze %dma_start3A_180 : memref<1x16384xf32, #tpu.memory_space<hbm>> -> memref<16384xf32, #tpu.memory_space<hbm>>
        %dma_start3A_182 = arith.constant 16384 : i32
        %dma_start3A_183 = tpu.memref_slice %arg7[%dma_start3A_182] : memref<32768xf32, #tpu.memory_space<vmem>> -> memref<16384xf32, #tpu.memory_space<vmem>>
        %dma_start3A_184 = arith.constant 0 : i32
        %dma_start3A_185 = tpu.memref_slice %arg2[%add3A_176, %dma_start3A_184] : memref<3072x16384xf32, #tpu.memory_space<hbm>> -> memref<1x16384xf32, #tpu.memory_space<hbm>>
        %dma_start3A_186 = tpu.memref_squeeze %dma_start3A_185 : memref<1x16384xf32, #tpu.memory_space<hbm>> -> memref<16384xf32, #tpu.memory_space<hbm>>
        tpu.enqueue_dma source(%dma_start3A_186 : memref<16384xf32, #tpu.memory_space<hbm>>) target(%dma_start3A_183 : memref<16384xf32, #tpu.memory_space<vmem>>) target_semaphore(%arg11 : memref<!tpu.dma_semaphore, #tpu.memory_space<semaphore_mem>>)
      } else {
      }
    }
    %scan3A_59 = arith.constant 48 : i32
    %dma_wait3A = arith.constant 0 : i32
    %dma_wait3A_60 = tpu.memref_slice %arg4[%dma_wait3A, %mul3A_2] : memref<3072x4096xf32, #tpu.memory_space<hbm>> -> memref<2x2048xf32, #tpu.memory_space<hbm>>
    %dma_wait3A_61 = arith.constant 0 : i32
    %dma_wait3A_62 = tpu.memref_slice %arg4[%dma_wait3A_61, %mul3A_2] : memref<3072x4096xf32, #tpu.memory_space<hbm>> -> memref<2x2048xf32, #tpu.memory_space<hbm>>
    tpu.wait_dma2 semaphore(%arg12 : memref<!tpu.dma_semaphore, #tpu.memory_space<semaphore_mem>>) src(%arg8 : memref<2x2048xf32, #tpu.memory_space<vmem>>) dst(%dma_wait3A_62 : memref<2x2048xf32, #tpu.memory_space<hbm>>)
    %dma_wait3A_63 = arith.constant 0 : i32
    %dma_wait3A_64 = tpu.memref_slice %arg4[%dma_wait3A_63, %mul3A_2] : memref<3072x4096xf32, #tpu.memory_space<hbm>> -> memref<2x2048xf32, #tpu.memory_space<hbm>>
    %dma_wait3A_65 = arith.constant 0 : i32
    %dma_wait3A_66 = tpu.memref_slice %arg4[%dma_wait3A_65, %mul3A_2] : memref<3072x4096xf32, #tpu.memory_space<hbm>> -> memref<2x2048xf32, #tpu.memory_space<hbm>>
    tpu.wait_dma2 semaphore(%arg13 : memref<!tpu.dma_semaphore, #tpu.memory_space<semaphore_mem>>) src(%arg9 : memref<2x2048xf32, #tpu.memory_space<vmem>>) dst(%dma_wait3A_66 : memref<2x2048xf32, #tpu.memory_space<hbm>>)
    return
  }
}

</mosaic_0001>

<sc_bundles>
// kernel: kernel.3.cloned.1.call-start
scs
__scs_entry_jumppad:
0x0: {  	(pc) =	sbr.rel $0x88, $3  }
0x1: {  	(tag) =	ssettag $0x0;
	lr =	simm.s32 $0x1  }
0x2: {  	[smem:$0x3F9F] =	sst lr;
	_ =	strace $0xD0000000  }
0x3: {  	_ = 	snop  }
0x4: {  	_ = 	snop  }
0x5: {  	_ = 	snop  }
0x6: {  	_ = 	snop  }
0x7: {  	_ = 	snop  }
__scs_overlays_trampoline_lowered:
0x8: {  	[smem:$0x3FAE] =	sst s0  }
0x9: {  	[smem:$0x3FAF] =	sst s1  }
0xa: {  	[smem:$0x3FB0] =	sst s2  }
0xb: {  	[smem:$0x3FB1] =	sst s3  }
0xc: {  	[smem:$0x3FB2] =	sst s4  }
0xd: {  	[smem:$0x3FB3] =	sst s5  }
0xe: {  	[smem:$0x3FB4] =	sst s6  }
0xf: {  	[smem:$0x3FB5] =	sst s7  }
0x10: {  	[smem:$0x3FB6] =	sst s8  }
0x11: {  	[smem:$0x3FB7] =	sst s9;
	s0 =	simm.s32 @!p0 $0x0  }
0x12: {  	s1 =	sld [smem:$0x3F9D];
	s0 =	simm.s32 @p0 $0x1  }
0x13: {  	[smem:$0x3FB8] =	sst s0;
	s0 =	simm.s32 @!p1 $0x0  }
0x14: {  	s2 =	sld [smem:$0x3F9C];
	s0 =	simm.s32 @p1 $0x1  }
0x15: {  	[smem:$0x3FB9] =	sst s0;
	s0 =	simm.s32 @!p2 $0x0  }
0x16: {  	s3 =	sld [smem:$0x3FDB];
	s0 =	simm.s32 @p2 $0x1  }
0x17: {  	s4 =	simm.s32 $0x1BF5;
	[smem:$0x3FBB] =	sst s0  }
0x18: {  	s0 =	sld [smem:$0x3F9E];
	_ =	swait.ge [sflag:s4], $0x0  }
0x19: {  	s7 =	sld [smem:$0x3F9F]  }
0x1a: {  	s8 =	sadd.s32 $0xFFFFE003, lr  }
0x1b: {  	s9 =	sadd.s32 $0xFFFFFEF7, lr;
	s5 =	simm.s32 $0xFFFFFFFF;
	p2 =	slt.u32 s8, $0xFFFFF086  }
0x1c: {  	p1 =	slt.u32 s9, $0xF7A;
	s5 =	simm.s32 @!p2 $0x0  }
0x1d: {  	s5 =	simm.s32 @p1 $0x1;
	p0 =	seq.s32 s7, s2  }
0x1e: {  	s7 =	smul.u32 @!p0 $0xF7A, s2;
	p2 =	seq.s32 @!p0 s5, $0x0  }
0x1f: {  	s9 =	smul.u32 $0xF7A, s1;
	s8 =	simm.s32 @!p0 $0x1BF5;
	p2 =	por !p2, p0  }
0x20: {  	[sflag:s8] =	ssyncset.s32 @!p0 $0xFFFFF086;
	s6 =	sadd.s32 @!p0 s3, s7;
	s7 =	simm.s32 @!p0 $0x108  }
0x21: {  	s3 =	sadd.s32 s3, s9;
	s6 =	sadd.s32 @!p0 $0x88, s6;
	s7 =	simm.s32 @p2 $0x1082  }
0x22: {  	[simem:s7], [sflag:s8] =	dma.local @!p0 [hbm:s6], $0xF7A  }
0x23: {  	s9 =	sor.u32 $0xD0000000, s2;
	s6 =	simm.s32 $0x108;
	_ =	swait.ge @!p0 [sflag:s8], $0x0  }
0x24: {  	s3 =	sadd.s32 $0x88, s3;
	s6 =	simm.s32 @!p1 $0x1082;
	[sflag:s4] =	ssyncset.s32 $0xFFFFF086  }
0x25: {  	[simem:s6], [sflag:s4] =	dma.local [hbm:s3], $0xF7A  }
0x26: {  	[smem:$0x3F9F] =	sst s1;
	(tag) =	ssettag s2;
	_ =	strace s9  }
0x27: {  	s1 =	sld [smem:$0x3FAF]  }
0x28: {  	s2 =	sld [smem:$0x3FB0]  }
0x29: {  	s4 =	sld [smem:$0x3FB2]  }
0x2a: {  	p0 =	seq.s32 s5, $0x0;
	s5 =	sld [smem:$0x3FB3]  }
0x2b: {  	s6 =	sld [smem:$0x3FB4]  }
0x2c: {  	s7 =	sld [smem:$0x3FB5]  }
0x2d: {  	s3 =	simm.s32 $0x108;
	s8 =	sld [smem:$0x3FB6]  }
0x2e: {  	s3 =	simm.s32 @!p0 $0x1082;
	s9 =	sld [smem:$0x3FB7]  }
0x2f: {  	lr =	sadd.s32 s0, s3;
	s0 =	sld [smem:$0x3FAE]  }
0x30: {  	s3 =	sld [smem:$0x3FB1]  }
0x31: {  	[smem:$0x3FBA] =	sst s10  }
0x32: {  	s10 =	sld [smem:$0x3FB8];
	_ =	sdelay $0x3  }
0x33: {  	p0 =	seq.s32 s10, $0x1;
	s10 =	sld [smem:$0x3FBA];
	_ =	sdelay $0x3  }
0x34: {  	[smem:$0x3FBA] =	sst s10  }
0x35: {  	s10 =	sld [smem:$0x3FB9];
	_ =	sdelay $0x3  }
0x36: {  	p1 =	seq.s32 s10, $0x1;
	s10 =	sld [smem:$0x3FBA];
	_ =	sdelay $0x3  }
0x37: {  	[smem:$0x3FBA] =	sst s10  }
0x38: {  	s10 =	sld [smem:$0x3FBB]  }
0x39: {  	_ = 	snop;
	(pc) =	sbr.ind lr, $3  }
0x3a: {  	_ = 	snop  }
0x3b: {  	_ = 	snop  }
0x3c: {  	p2 =	seq.s32 s10, $0x1;
	s10 =	sld [smem:$0x3FBA]  }
0x3d: {  	_ =	shalt  }
0x3e: {  	_ =	shalt  }
0x3f: {  	_ =	shalt  }
0x40: {  	_ =	shalt  }
0x41: {  	_ =	shalt  }
0x42: {  	_ =	shalt  }
0x43: {  	_ =	shalt  }
0x44: {  	_ =	shalt  }
0x45: {  	_ =	shalt  }
0x46: {  	_ =	shalt  }
0x47: {  	_ =	shalt  }
0x48: {  	_ =	shalt  }
0x49: {  	_ =	shalt  }
0x4a: {  	_ =	shalt  }
0x4b: {  	_ =	shalt  }
0x4c: {  	_ =	shalt  }
0x4d: {  	_ =	shalt  }
0x4e: {  	_ =	shalt  }
0x4f: {  	_ =	shalt  }
0x50: {  	_ =	shalt  }
0x51: {  	_ =	shalt  }
0x52: {  	_ =	shalt  }
0x53: {  	_ =	shalt  }
0x54: {  	_ =	shalt  }
0x55: {  	_ =	shalt  }
0x56: {  	_ =	shalt  }
0x57: {  	_ =	shalt  }
0x58: {  	_ =	shalt  }
0x59: {  	_ =	shalt  }
0x5a: {  	_ =	shalt  }
0x5b: {  	_ =	shalt  }
0x5c: {  	_ =	shalt  }
0x5d: {  	_ =	shalt  }
0x5e: {  	_ =	shalt  }
0x5f: {  	_ =	shalt  }
0x60: {  	_ =	shalt  }
0x61: {  	_ =	shalt  }
0x62: {  	_ =	shalt  }
0x63: {  	_ =	shalt  }
0x64: {  	_ =	shalt  }
0x65: {  	_ =	shalt  }
0x66: {  	_ =	shalt  }
0x67: {  	_ =	shalt  }
0x68: {  	_ =	shalt  }
0x69: {  	_ =	shalt  }
0x6a: {  	_ =	shalt  }
0x6b: {  	_ =	shalt  }
0x6c: {  	_ =	shalt  }
0x6d: {  	_ =	shalt  }
0x6e: {  	_ =	shalt  }
0x6f: {  	_ =	shalt  }
0x70: {  	_ =	shalt  }
0x71: {  	_ =	shalt  }
0x72: {  	_ =	shalt  }
0x73: {  	_ =	shalt  }
0x74: {  	_ =	shalt  }
0x75: {  	_ =	shalt  }
0x76: {  	_ =	shalt  }
0x77: {  	_ =	shalt  }
0x78: {  	_ =	shalt  }
0x79: {  	_ =	shalt  }
0x7a: {  	_ =	shalt  }
0x7b: {  	_ =	shalt  }
0x7c: {  	_ =	shalt  }
0x7d: {  	_ =	shalt  }
0x7e: {  	_ =	shalt  }
0x7f: {  	_ =	shalt  }
0x80: {  	_ =	shalt  }
0x81: {  	_ =	shalt  }
0x82: {  	_ =	shalt  }
0x83: {  	_ =	shalt  }
0x84: {  	_ =	shalt  }
0x85: {  	_ =	shalt  }
0x86: {  	_ =	shalt  }
0x87: {  	_ =	shalt  }
.Lfunc_end0:
.L_simem_size_0:
called_computation_lowered:
.L_overlay_start_0:
0x88: {  	s2 =	sld [smem:$0x3FD9]  }
0x89: {  	s3 =	sld [smem:$0x3FFE];
	_ =	sdelay $0x1  }
0x8a: {  	s1 =	srdreg.scid  }
0x8b: {  	s0 =	sand.u32 $0x1, s1  }
0x8c: {  	s17 =	sshll.u32 s0, $0xA;
	s2 =	sadd.s32 s3, s2  }
0x8d: {  	s2 =	sadd.s32 s2, s17  }
0x8e: {  	[smem:$0x3FC6] =	sst s2  }
0x8f: {  	_ = 	snop  }
0x90: {  	s2 =	sld [smem:$0x3FC9]  }
0x91: {  	s18 =	sld [smem:$0x3FD0];
	(tm) =	ssettm $0x1  }
0x92: {  	s4 =	sld [smem:$0x3FFB];
	_ =	sdelay $0x3  }
0x93: {  	_ =	strace s4  }
0x94: {  	s4 =	sld [smem:$0x3FFC];
	_ =	sdelay $0x3  }
0x95: {  	_ =	strace s4  }
0x96: {  	s4 =	sld [smem:$0x3FFD];
	_ =	sdelay $0x3  }
0x97: {  	_ =	strace s4  }
0x98: {  	_ =	strace $0x8FFFFFFF  }
0x99: {  	s19 =	sld [smem:$0x3FDB];
	_ =	sdelay $0x1  }
0x9a: {  	s5 =	simm.s32 $_scs_section_size  }
0x9b: {  	s6 =	simm.s32 $_size__tile_overlayer_lowered;
	s7 =	simm.s32 $_tile_overlayer_lowered  }
0x9c: {  	s22 =	simm.s32 $0x1BFF;
	s21 =	sshll.u32 s7, $0x1;
	s4 =	sadd.s32 s5, s19  }
0x9d: {  	s8 =	simm.s32 $0x0;
	s20 =	sshll.u32 s6, $0x1;
	s6 =	sadd.s32 s21, s4  }
0x9e: {  	[timem:s8], [sflag:s22] =	dma.local [hbm:s6], s20  }
0x9f: {  	_ =	swait.ge [sflag:s22], s20  }
0xa0: {  	s5 =	ssub.s32 $0x0, s20;
	[sflag:s22] =	ssyncset.done $0x0  }
0xa1: {  	[sflag:s22] =	ssyncadd.s32 s5;
	_ =	sdelay $0x1  }
0xa2: {  	s23 =	simm.s32 $0x1B8B  }
0xa3: {  	_ =	swait.ge [sflag:s23], $0x1  }
0xa4: {  	[sflag:s23] =	ssyncset.done $0x0  }
0xa5: {  	s25 =	simm.s32 $0x1B8E;
	s24 =	sld [smem:$0x3FFE];
	[sflag:s23] =	ssyncadd.s32 $0xFFFFFFFF  }
0xa6: {  	s26 =	simm.s32 $execute0_lowered;
	[smem:$0x3FD2] =	sst s25  }
0xa7: {  	s6 =	sshll.u32 s26, $0x1;
	_ =	strace $0x80000046;
	[dreg:$0x1] =	wrdreg $0xFFFFFFFF  }
0xa8: {  	s28 =	simm.s32 $_size_execute0_lowered;
	s4 =	sadd.s32 s4, s6;
	[dreg:$0x0] =	wrdreg $0x0  }
0xa9: {  	s6 =	sshll.u32 s28, $0x1;
	[dreg:$0x2] =	wrdreg s4  }
0xaa: {  	[dreg:$0x3] =	wrdreg s6  }
0xab: {  	[dreg:$0x4] =	wrdreg $0xC0  }
0xac: {  	_ =	task [dreg:s8], $0x5FFFF  }
0xad: {  	[dreg:$0x1] =	wrdreg $0xFFFFFFFF  }
0xae: {  	[dreg:$0x0] =	wrdreg $0x60  }
0xaf: {  	[dreg:$0x2] =	wrdreg s2  }
0xb0: {  	[dreg:$0x3] =	wrdreg s24  }
0xb1: {  	[dreg:$0x4] =	wrdreg s18  }
0xb2: {  	[dreg:$0x5] =	wrdreg $0x9  }
0xb3: {  	_ =	task.clear_ibuf [dreg:s8], $0x6FFFF;
	_ =	strace $0x90000046  }
0xb4: {  	s29 =	simm.s32 $0x9;
	_ =	strace $0x80000048  }
0xb5: {  	_ =	swait.ge [sflag:s29], $0x1  }
0xb6: {  	[sflag:s29] =	ssyncadd.s32 $0xFFFFFFFF  }
0xb7: {  	_ =	strace $0x90000048  }
0xb8: {  	_ =	sfence  }
0xb9: {  	s30 =	sld [smem:$0x0];
	_ =	sdelay $0x2  }
0xba: {  	s31 =	sshll.u32 s1, $0xD;
	s1 =	sshrl.u32 s1, $0x2  }
0xbb: {  	s3 =	sand.u32 $0x4000, s31;
	s1 =	sadd.s32 s1, s30  }
0xbc: {  	s0 =	sor.u32 s3, s0;
	s1 =	sshll.u32 s1, $0x11  }
0xbd: {  	s0 =	sor.u32 s1, s0  }
0xbe: {  	s0 =	sadd.s32 $0x8F2B, s0  }
0xbf: {  	[sflag:s0] =	ssyncadd.remote.s32 $0x1  }
0xc0: {  	_ =	sfence.sel $0xFFFF  }
0xc1: {  	[dreg:$0x0] =	wrdreg $0xFFFFFFFF;
	(pc) =	sbr.abs _section_cstart, $3  }
0xc2: {  	[dreg:$0x1] =	wrdreg $0xFFFFFFFF  }
0xc3: {  	_ =	task.clear_ibuf [dreg:s8], $0x2FFFF;
	_ =	strace $0x9FFFFFFF  }
0xc4: {  	(tm) =	ssettm $0x7FFFFFFF  }
0xc5: {  	_ =	shalt  }
tec
execute0_lowered:
.L_overlay_start_1:
0x0: {  	(tag) =	ssettag $0x1  }
0x1: {  	s1 =	rddreg [dreg:$0x0]  }
0x2: {  	s0 =	rddreg [dreg:$0x1]  }
0x3: {  	s3 =	rddreg [dreg:$0x2];
	s2 =	srdreg.scid  }
0x4: {  	s8 =	stileid.u32;
	s6 =	simm.s32 $0x0;
	s14 =	simm.s32 $0x80  }
0x5: {  	s15 =	simm.s32 $0x400;
	s16 =	simm.s32 $0x4000;
	s18 =	simm.s32 $0xC000  }
0x6: {  	s19 =	simm.s32 $0x10000;
	s21 =	simm.s32 $0x5;
	s22 =	simm.s32 $0x1  }
0x7: {  	s28 =	simm.s32 $0x3;
	s29 =	simm.s32 $0x4;
	s30 =	simm.s32 $0x0  }
0x8: {  	s2 =	sand.u32 $0x1, s2;
	s5 =	smul.u32 $0x60000, s8;
	[smem:$0x7FF] =	sst s6  }
0x9: {  	s12 =	smul.u32 $0xC0000, s8;
	s4 =	ssub.s32 $0x2, s2;
	_ =	strace $0x80000047  }
0xa: {  	s26 =	sshll.u32 s2, $0xA;
	s11 =	sshll.u32 s2, $0xE;
	s24 =	sadd.s32 s1, s5  }
0xb: {  	s23 =	sshrl.u32 s4, $0x1;
	s0 =	sadd.s32 s0, s26;
	[dreg:$0x4] =	wrdreg s24  }
.Ltmp0:
0xc: {  	s7 =	sadd.s32 $0x10, s24;
	[dreg:$0x8] =	wrdreg s0;
	(pc) =	sbr.rel .LBB2_1-.Ltmp0, $4  }
0xd: {  	s26 =	simm.s32 $0x15000;
	s25 =	sadd.s32 $0x20, s24;
	[dreg:$0x5] =	wrdreg s7  }
0xe: {  	s4 =	ssub.s32 s4, s23;
	s6 =	sadd.s32 $0x30, s24;
	[dreg:$0x6] =	wrdreg s25  }
0xf: {  	s23 =	simm.s32 $0x100;
	[dreg:$0x7] =	wrdreg s6;
	s31 =	smax.u32 s4, $0x1  }
0x10: {  	s24 =	simm.s32 $0x14000;
	s25 =	simm.s32 $0x2;
	[dreg:$0x9] =	wrdreg s31  }
.LBB2_8:
0x11: {  	_ =	swait.ge [sflag:s28], $0x1000  }
0x12: {  	[sflag:s28] =	ssyncset.done $0x0  }
0x13: {  	[sflag:s28] =	ssyncadd.s32 $0xFFFFF000  }
0x14: {  	_ =	swait.ge [sflag:s29], $0x1000  }
0x15: {  	s30 =	sadd.s32 $0x1, s30;
	s0 =	rddreg [dreg:$0x9]  }
0x16: {  	p0 =	sne.s32 s30, s0  }
.Ltmp1:
0x17: {  	_ = 	snop;
	(pc) =	sbr.rel @!p0 .LBB2_9-.Ltmp1, $3  }
0x18: {  	_ =	sdelay $0x1  }
0x19: {  	[sflag:s29] =	ssyncset.done $0x0  }
0x1a: {  	[sflag:s29] =	ssyncadd.s32 $0xFFFFF000  }
.LBB2_1:
0x1b: {  	s0 =	rddreg [dreg:$0x4]  }
0x1c: {  	[tilespmem:s16], [sflag:$0x1] =	stream.strided.gather [hbm4b:s0+s14], $0x4000, s15, s14, $0x38;
	[tilespmem:$0x16000] =	vst v63  }
0x1d: {  	s9 =	rddreg [dreg:$0x5];
	s2 =	simm.s32 $0x8000  }
0x1e: {  	[tilespmem:s2], [sflag:$0x1] =	stream.strided.gather [hbm4b:s9+s14], $0x4000, s15, s14, $0x38;
	[tilespmem:$0x16000] =	vst v63  }
0x1f: {  	s10 =	rddreg [dreg:$0x6]  }
0x20: {  	[tilespmem:s18], [sflag:$0x2] =	stream.strided.gather [hbm4b:s10+s14], $0x4000, s15, s14, $0x38;
	[tilespmem:$0x16000] =	vst v63  }
0x21: {  	s13 =	rddreg [dreg:$0x7]  }
0x22: {  	[tilespmem:s19], [sflag:$0x2] =	stream.strided.gather [hbm4b:s13+s14], $0x4000, s15, s14, $0x38;
	[tilespmem:$0x16000] =	vst v63  }
0x23: {  	s17 =	simm.s32 $0x0;
	s20 =	rddreg [dreg:$0x8];
	s4 =	simm.s32 $0x2000  }
0x24: {  	[tilespmem:s17], [sflag:$0x5] =	stream.strided.gather [hbm4b:s20+s4], $0x4000, s16, s4, $0x38;
	[tilespmem:$0x16000] =	vst v63  }
0x25: {  	_ =	swait.ge [sflag:s21], $0x4000  }
0x26: {  	[sflag:s21] =	ssyncset.done $0x0  }
0x27: {  	s31 =	simm.s32 $0x0;
	[sflag:s21] =	ssyncadd.s32 $0xFFFFC000  }
.LBB2_2:
0x28: {  	_ =	swait.ge [sflag:s22], $0x4000  }
0x29: {  	[sflag:s22] =	ssyncset.done $0x0  }
0x2a: {  	[sflag:s22] =	ssyncadd.s32 $0xFFFFC000  }
0x2b: {  	_ =	swait.ge [sflag:s22], $0x4000  }
0x2c: {  	p0 =	seq.s32 s31, $0x0;
	[sflag:s22] =	ssyncset.done $0x0  }
0x2d: {  	s0 =	simm.s32 @!p0 $0x3;
	[sflag:s22] =	ssyncadd.s32 $0xFFFFC000  }
0x2e: {  	s2 =	simm.s32 $0x0;
	_ =	swait.ge @!p0 [sflag:s0], $0x1000  }
0x2f: {  	s4 =	sand.u32 $0x70, s2;
	s7 =	sand.u32 $0x1C00, s2;
	[sflag:s0] =	ssyncset.done @!p0 $0x0  }
0x30: {  	s17 =	sor.u32 s4, s7;
	[sflag:s0] =	ssyncadd.s32 @!p0 $0xFFFFF000  }
0x31: {  	v0 =	vld [tilespmem:s17+$0x100]  }
0x32: {  	v1 =	vld [tilespmem:s17+$0x0]  }
0x33: {  	v2 =	vld [tilespmem:s17+$0x80]  }
0x34: {  	v3 =	vld [tilespmem:s17+$0x180];
	_ =	sdelay $0x1  }
0x35: {  	v10 =	vld [tilespmem:s17+$0x300]  }
0x36: {  	s20 =	sor.u32 s2, s2;
	v13 =	vld [tilespmem:s17+$0x200];
	v4 =	vshrl.u32 v0, $0x10  }
0x37: {  	s4 =	sor.u32 $0x380, s20;
	v7 =	vand.u32 $0xFFFF, v0;
	v5 =	vshrl.u32 v1, $0x10;
	v0 =	vand.u32 $0xFFFF, v1  }
0x38: {  	v22 =	vld [tilespmem:s4+$0x0];
	v9 =	vshrl.u32 v2, $0x10;
	v15 =	vshrl.u32 v3, $0x10;
	v6 =	vadd.s32 $0x4000, v5  }
0x39: {  	v8 =	vld [tilespmem:s17+$0x2000];
	v11 =	vand.u32 $0x7F, v5;
	v12 =	vadd.s32 $0x4000, v9;
	v6 =	vand.u32 $0x1FF80, v6  }
0x3a: {  	v16 =	vand.u32 $0xFFFF, v2;
	v11 =	vor.u32 v11, v6;
	v6 =	vand.u32 $0x1FF80, v12;
	v12 =	vld [tilespmem:s17+$0x280]  }
0x3b: {  	v2 =	vand.u32 $0xFFFF, v3;
	v27 =	vand.u32 $0xFFFF, v13;
	v26 =	vand.u32 $0xFFFF, v10;
	v20 =	vld.idx.msk [tilespmem:v4+s16+$0x0], $0xffff  }
0x3c: {  	v1 =	vadd.s32 $0x4000, v4;
	v14 =	vand.u32 $0x7F, v4;
	v18 =	vadd.s32 $0x4000, v0;
	v19 =	vld.idx.msk [tilespmem:v0+s16+$0x0], $0xffff  }
0x3d: {  	v17 =	vadd.s32 $0x4000, v15;
	v3 =	vand.u32 $0x7F, v15;
	v23 =	vadd.s32 $0x4000, v2;
	v21 =	vld.idx.msk [tilespmem:v5+s16+$0x0], $0xffff  }
0x3e: {  	v24 =	vadd.s32 $0x4000, v27;
	v31 =	vadd.s32 $0x4000, v26;
	v5 =	vand.u32 $0x1FF80, v17;
	v25 =	vld.idx.msk [tilespmem:v7+s16+$0x0], $0xffff  }
0x3f: {  	v1 =	vand.u32 $0x1FF80, v1;
	v4 =	vand.u32 $0x7F, v9;
	v28 =	vld.idx.msk [tilespmem:v16+s16+$0x0], $0xffff;
	v3 =	vor.u32 v3, v5  }
0x40: {  	v5 =	vshrl.u32 v13, $0x10;
	v13 =	vld.idx.msk [tilespmem:v9+s16+$0x0], $0xffff;
	v9 =	vor.u32 v14, v1;
	v6 =	vor.u32 v4, v6  }
0x41: {  	v29 =	vld.idx.msk [tilespmem:v15+s16+$0x0], $0xffff;
	v17 =	vadd.s32 $0x4000, v5;
	v1 =	vand.u32 $0x7F, v5;
	v15 =	vshrl.u32 v12, $0x10  }
0x42: {  	v14 =	vand.u32 $0x1FF80, v17;
	v4 =	vld.idx.msk [tilespmem:v11+s16+$0x0], $0xffff;
	v11 =	vadd.s32 $0x4000, v7;
	v7 =	vadd.s32 $0x4000, v15  }
0x43: {  	v18 =	vld.idx.msk [tilespmem:v18+s16+$0x0], $0xffff;
	v17 =	vand.u32 $0xFFFF, v12;
	v12 =	vand.u32 $0x7F, v15;
	v7 =	vand.u32 $0x1FF80, v7  }
0x44: {  	v0 =	vadd.s32 $0x4000, v16;
	v16 =	vor.u32 v1, v14;
	v1 =	vld.idx.msk [tilespmem:v3+s16+$0x0], $0xffff;
	v12 =	vor.u32 v12, v7  }
0x45: {  	v30 =	vadd.s32 $0x4000, v17;
	v19 =	vmax.f32 v19, v28;
	v3 =	vld.idx.msk [tilespmem:v24+s16+$0x0], $0xffff;
	v24 =	vshrl.u32 v10, $0x10  }
0x46: {  	v10 =	vld.idx.msk [tilespmem:v27+s16+$0x0], $0xffff;
	v13 =	vmax.f32 v21, v13;
	v19 =	vmax.f32 v19, v25;
	v14 =	vadd.s32 $0x4000, v24  }
0x47: {  	v7 =	vld.idx.msk [tilespmem:v23+s16+$0x0], $0xffff;
	v23 =	vand.u32 $0xFFFF, v8;
	v27 =	vand.u32 $0x7F, v24;
	v21 =	vand.u32 $0x1FF80, v14  }
0x48: {  	v13 =	vmax.f32 v13, v20;
	v14 =	vld.idx.msk [tilespmem:v15+s16+$0x0], $0xffff;
	v15 =	vor.u32 v27, v21;
	v21 =	vshrl.u32 v8, $0x10  }
0x49: {  	v25 =	vadd.s32 $0x4000, v23;
	v20 =	vmax.f32 v13, v29;
	v8 =	vld.idx.msk [tilespmem:v12+s16+$0x0], $0xffff;
	v12 =	vadd.s32 $0x4000, v21  }
0x4a: {  	s8 =	simm.s32 $0x0;
	s7 =	simm.s32 $0x0;
	s20 =	simm.s32 $0x0;
	v29 =	vand.u32 $0xFFFF, v22;
	v13 =	vld.idx.msk [tilespmem:v30+s16+$0x0], $0xffff;
	v30 =	vand.u32 $0x7F, v21;
	v32 =	vand.u32 $0x1FF80, v12  }
0x4b: {  	s0 =	sshll.u32 s31, $0x1;
	s4 =	simm.s32 $0x20;
	s17 =	sand.u32 $0xF00, s2;
	v28 =	vadd.s32 $0x4000, v29;
	v27 =	vshrl.u32 v22, $0x10;
	v12 =	vld.idx.msk [tilespmem:v31+s16+$0x0], $0xffff;
	v22 =	vor.u32 v30, v32  }
.LBB2_3:
0x4c: {  	s2 =	sadd.s32 $0x40, s2  }
0x4d: {  	v26 =	vld.idx.msk [tilespmem:v26+s16+$0x0], $0xffff;
	s7 =	sadd.s32 $0x80, s7;
	s8 =	sadd.s32 $0x10, s8;
	s10 =	smov.u32 s4  }
0x4e: {  	p1 =	sne.s32 s4, $0x7E0;
	s4 =	sadd.s32 $0x20, s4;
	s9 =	sand.u32 $0xF00, s2;
	v24 =	vld.idx.msk [tilespmem:v24+s16+$0x0], $0xffff  }
0x4f: {  	v16 =	vld.idx.msk [tilespmem:v16+s16+$0x0], $0xffff  }
0x50: {  	v29 =	vld.idx.msk [tilespmem:v29+s16+$0x0], $0xffff  }
0x51: {  	v30 =	vld.idx.msk [tilespmem:v27+s16+$0x0], $0xffff  }
0x52: {  	v17 =	vld.idx.msk [tilespmem:v17+s16+$0x0], $0xffff  }
0x53: {  	v9 =	vld.idx.msk [tilespmem:v9+s16+$0x0], $0xffff  }
0x54: {  	v28 =	vld.idx.msk [tilespmem:v28+s16+$0x0], $0xffff  }
0x55: {  	v11 =	vld.idx.msk [tilespmem:v11+s16+$0x0], $0xffff  }
0x56: {  	v2 =	vld.idx.msk [tilespmem:v2+s16+$0x0], $0xffff  }
0x57: {  	v31 =	vadd.s32 $0x4000, v27;
	v5 =	vld.idx.msk [tilespmem:v5+s16+$0x0], $0xffff  }
0x58: {  	v31 =	vand.u32 $0x1FF80, v31;
	v27 =	vand.u32 $0x7F, v27;
	v0 =	vld.idx.msk [tilespmem:v0+s16+$0x0], $0xffff  }
0x59: {  	v27 =	vor.u32 v27, v31;
	v6 =	vld.idx.msk [tilespmem:v6+s16+$0x0], $0xffff  }
0x5a: {  	v25 =	vld.idx.msk [tilespmem:v25+s16+$0x0], $0xffff  }
0x5b: {  	v23 =	vld.idx.msk [tilespmem:v23+s16+$0x0], $0xffff  }
0x5c: {  	v2 =	vmax.f32 v19, v2;
	v19 =	vld.idx.msk [tilespmem:v21+s16+$0x0], $0xffff  }
0x5d: {  	v2 =	vmax.f32 v2, v10;
	v5 =	vmax.f32 v20, v5;
	v10 =	vld.idx.msk [tilespmem:v15+s16+$0x0], $0xffff  }
0x5e: {  	v0 =	vmax.f32 v18, v0;
	v5 =	vmax.f32 v5, v14;
	v14 =	vld.idx.msk [tilespmem:v27+s16+$0x0], $0xffff  }
0x5f: {  	v4 =	vmax.f32 v4, v6;
	v0 =	vmax.f32 v0, v11;
	v5 =	vmax.f32 v5, v24  }
0x60: {  	v2 =	vmax.f32 v2, v17;
	v4 =	vmax.f32 v4, v9;
	v0 =	vmax.f32 v0, v7;
	v6 =	vld.idx.msk [tilespmem:v22+s16+$0x0], $0xffff  }
0x61: {  	v2 =	vmax.f32 v2, v26;
	v1 =	vmax.f32 v4, v1;
	v0 =	vmax.f32 v0, v3  }
0x62: {  	v2 =	vmax.f32 v2, v29;
	v1 =	vmax.f32 v1, v16;
	v0 =	vmax.f32 v0, v13  }
0x63: {  	s13 =	sand.u32 $0x60, s20;
	s20 =	smov.u32 s10;
	v1 =	vmax.f32 v1, v8;
	v0 =	vmax.f32 v0, v12  }
0x64: {  	s10 =	sor.u32 s13, s17;
	s17 =	smov.u32 s9;
	v3 =	vmax.f32 v5, v30;
	v2 =	vmax.f32 v2, v23;
	v1 =	vmax.f32 v1, v10  }
0x65: {  	v3 =	vmax.f32 v3, v19;
	v0 =	vmax.f32 v0, v28;
	v1 =	vmax.f32 v1, v14;
	[tilespmem:s10+$0x14000] =	vst v2  }
0x66: {  	v0 =	vmax.f32 v0, v25;
	v1 =	vmax.f32 v1, v6;
	[tilespmem:s10+$0x14010] =	vst v3  }
0x67: {  	s13 =	sand.u32 $0x1C00, s7;
	s9 =	sand.u32 $0x70, s8;
	[tilespmem:s10+$0x14080] =	vst v0  }
0x68: {  	s9 =	sor.u32 s9, s13;
	[tilespmem:s10+$0x14090] =	vst v1  }
0x69: {  	v0 =	vld [tilespmem:s9+$0x100]  }
0x6a: {  	v1 =	vld [tilespmem:s9+$0x0]  }
0x6b: {  	v2 =	vld [tilespmem:s9+$0x80]  }
0x6c: {  	s10 =	sor.u32 s7, s8  }
0x6d: {  	s10 =	sor.u32 $0x380, s10;
	v3 =	vld [tilespmem:s9+$0x180]  }
0x6e: {  	v4 =	vshrl.u32 v0, $0x10;
	v7 =	vand.u32 $0xFFFF, v0;
	v22 =	vld [tilespmem:s10+$0x0]  }
0x6f: {  	v5 =	vshrl.u32 v1, $0x10;
	v0 =	vand.u32 $0xFFFF, v1;
	v1 =	vadd.s32 $0x4000, v4;
	v8 =	vld [tilespmem:s9+$0x2000]  }
0x70: {  	v10 =	vand.u32 $0x7F, v4;
	v6 =	vadd.s32 $0x4000, v5;
	v9 =	vshrl.u32 v2, $0x10;
	v12 =	vld [tilespmem:s9+$0x300]  }
0x71: {  	v11 =	vand.u32 $0x7F, v5;
	v6 =	vand.u32 $0x1FF80, v6;
	v13 =	vadd.s32 $0x4000, v9;
	v14 =	vld [tilespmem:s9+$0x200]  }
0x72: {  	v11 =	vor.u32 v11, v6;
	v6 =	vand.u32 $0x1FF80, v13;
	v13 =	vshrl.u32 v3, $0x10;
	v15 =	vld [tilespmem:s9+$0x280]  }
0x73: {  	v18 =	vadd.s32 $0x4000, v0;
	v16 =	vand.u32 $0xFFFF, v2;
	v17 =	vand.u32 $0x7F, v9;
	v20 =	vld.idx.msk [tilespmem:v4+s16+$0x0], $0xffff  }
0x74: {  	v2 =	vand.u32 $0xFFFF, v3;
	v3 =	vadd.s32 $0x4000, v13;
	v19 =	vld.idx.msk [tilespmem:v0+s16+$0x0], $0xffff;
	v0 =	vadd.s32 $0x4000, v16  }
0x75: {  	v4 =	vand.u32 $0x7F, v13;
	v23 =	vadd.s32 $0x4000, v2;
	v3 =	vand.u32 $0x1FF80, v3;
	v21 =	vld.idx.msk [tilespmem:v5+s16+$0x0], $0xffff  }
0x76: {  	v3 =	vor.u32 v4, v3;
	v25 =	vld.idx.msk [tilespmem:v7+s16+$0x0], $0xffff;
	v5 =	vshrl.u32 v14, $0x10;
	v14 =	vand.u32 $0xFFFF, v14  }
0x77: {  	v1 =	vand.u32 $0x1FF80, v1;
	v27 =	vld.idx.msk [tilespmem:v9+s16+$0x0], $0xffff;
	v24 =	vadd.s32 $0x4000, v14;
	v4 =	vadd.s32 $0x4000, v5  }
0x78: {  	v9 =	vor.u32 v10, v1;
	v1 =	vand.u32 $0x7F, v5;
	v28 =	vld.idx.msk [tilespmem:v16+s16+$0x0], $0xffff;
	v4 =	vand.u32 $0x1FF80, v4  }
0x79: {  	v6 =	vor.u32 v17, v6;
	v29 =	vshrl.u32 v15, $0x10;
	v13 =	vld.idx.msk [tilespmem:v13+s16+$0x0], $0xffff;
	v16 =	vor.u32 v1, v4  }
0x7a: {  	v17 =	vand.u32 $0xFFFF, v15;
	v4 =	vld.idx.msk [tilespmem:v11+s16+$0x0], $0xffff;
	v11 =	vadd.s32 $0x4000, v7;
	v7 =	vadd.s32 $0x4000, v29  }
0x7b: {  	v10 =	vand.u32 $0x7F, v29;
	v30 =	vadd.s32 $0x4000, v17;
	v1 =	vld.idx.msk [tilespmem:v3+s16+$0x0], $0xffff;
	v7 =	vand.u32 $0x1FF80, v7  }
0x7c: {  	v26 =	vand.u32 $0xFFFF, v12;
	v3 =	vld.idx.msk [tilespmem:v24+s16+$0x0], $0xffff;
	v31 =	vor.u32 v10, v7;
	v24 =	vshrl.u32 v12, $0x10  }
0x7d: {  	v32 =	vadd.s32 $0x4000, v26;
	v10 =	vld.idx.msk [tilespmem:v14+s16+$0x0], $0xffff;
	v12 =	vand.u32 $0x7F, v24;
	v14 =	vadd.s32 $0x4000, v24  }
0x7e: {  	v21 =	vmax.f32 v21, v27;
	v15 =	vmax.f32 v19, v28;
	v7 =	vld.idx.msk [tilespmem:v23+s16+$0x0], $0xffff;
	v23 =	vand.u32 $0x1FF80, v14  }
.Ltmp2:
0x7f: {  	v20 =	vmax.f32 v21, v20;
	v19 =	vmax.f32 v15, v25;
	v14 =	vld.idx.msk [tilespmem:v29+s16+$0x0], $0xffff;
	v15 =	vor.u32 v12, v23;
	(pc) =	sbr.rel @p1 .LBB2_3-.Ltmp2, $4  }
0x80: {  	v21 =	vshrl.u32 v8, $0x10;
	v20 =	vmax.f32 v20, v13;
	v23 =	vand.u32 $0xFFFF, v8;
	v18 =	vld.idx.msk [tilespmem:v18+s16+$0x0], $0xffff  }
0x81: {  	v29 =	vand.u32 $0xFFFF, v22;
	v12 =	vadd.s32 $0x4000, v21;
	v25 =	vadd.s32 $0x4000, v23;
	v8 =	vld.idx.msk [tilespmem:v31+s16+$0x0], $0xffff  }
0x82: {  	v28 =	vadd.s32 $0x4000, v29;
	v31 =	vand.u32 $0x1FF80, v12;
	v13 =	vld.idx.msk [tilespmem:v30+s16+$0x0], $0xffff;
	v30 =	vand.u32 $0x7F, v21  }
0x83: {  	v27 =	vshrl.u32 v22, $0x10;
	v12 =	vld.idx.msk [tilespmem:v32+s16+$0x0], $0xffff;
	v22 =	vor.u32 v30, v31  }
0x84: {  	_ =	sdelay $0x3  }
0x85: {  	v26 =	vld.idx.msk [tilespmem:v26+s16+$0x0], $0xffff  }
0x86: {  	v24 =	vld.idx.msk [tilespmem:v24+s16+$0x0], $0xffff  }
0x87: {  	v16 =	vld.idx.msk [tilespmem:v16+s16+$0x0], $0xffff  }
0x88: {  	v29 =	vld.idx.msk [tilespmem:v29+s16+$0x0], $0xffff  }
0x89: {  	v30 =	vld.idx.msk [tilespmem:v27+s16+$0x0], $0xffff  }
0x8a: {  	v17 =	vld.idx.msk [tilespmem:v17+s16+$0x0], $0xffff  }
0x8b: {  	v9 =	vld.idx.msk [tilespmem:v9+s16+$0x0], $0xffff  }
0x8c: {  	v2 =	vld.idx.msk [tilespmem:v2+s16+$0x0], $0xffff  }
0x8d: {  	v5 =	vld.idx.msk [tilespmem:v5+s16+$0x0], $0xffff  }
0x8e: {  	v0 =	vld.idx.msk [tilespmem:v0+s16+$0x0], $0xffff  }
0x8f: {  	v31 =	vadd.s32 $0x4000, v27;
	v6 =	vld.idx.msk [tilespmem:v6+s16+$0x0], $0xffff  }
0x90: {  	v11 =	vld.idx.msk [tilespmem:v11+s16+$0x0], $0xffff;
	v27 =	vand.u32 $0x7F, v27;
	v31 =	vand.u32 $0x1FF80, v31  }
0x91: {  	v28 =	vld.idx.msk [tilespmem:v28+s16+$0x0], $0xffff;
	v27 =	vor.u32 v27, v31  }
0x92: {  	v25 =	vld.idx.msk [tilespmem:v25+s16+$0x0], $0xffff  }
0x93: {  	v2 =	vmax.f32 v19, v2;
	v19 =	vld.idx.msk [tilespmem:v23+s16+$0x0], $0xffff;
	v5 =	vmax.f32 v20, v5;
	v0 =	vmax.f32 v18, v0  }
0x94: {  	v4 =	vmax.f32 v4, v6;
	v6 =	vld.idx.msk [tilespmem:v15+s16+$0x0], $0xffff;
	v2 =	vmax.f32 v2, v10;
	v5 =	vmax.f32 v5, v14  }
0x95: {  	v10 =	vld.idx.msk [tilespmem:v21+s16+$0x0], $0xffff;
	v0 =	vmax.f32 v0, v11;
	v4 =	vmax.f32 v4, v9;
	v5 =	vmax.f32 v5, v24  }
0x96: {  	v9 =	vld.idx.msk [tilespmem:v27+s16+$0x0], $0xffff;
	v0 =	vmax.f32 v0, v7;
	v2 =	vmax.f32 v2, v17;
	v1 =	vmax.f32 v4, v1  }
0x97: {  	s2 =	sshll.u32 s31, $0xE;
	v4 =	vld.idx.msk [tilespmem:v22+s16+$0x0], $0xffff;
	v0 =	vmax.f32 v0, v3;
	v2 =	vmax.f32 v2, v26;
	v1 =	vmax.f32 v1, v16  }
0x98: {  	s4 =	sand.u32 $0x60, s20;
	s7 =	sshll.u32 s31, $0x9;
	s2 =	sadd.s32 s12, s2;
	v3 =	vmax.f32 v5, v30;
	v0 =	vmax.f32 v0, v13;
	v2 =	vmax.f32 v2, v29  }
0x99: {  	s4 =	sor.u32 s4, s17;
	s7 =	sand.u32 $0x200, s7;
	s2 =	sand.u32 $0x1FF8000, s2;
	v1 =	vmax.f32 v1, v8;
	v0 =	vmax.f32 v0, v12;
	v2 =	vmax.f32 v2, v19  }
0x9a: {  	s2 =	sor.u32 s2, s7;
	v1 =	vmax.f32 v1, v6;
	v0 =	vmax.f32 v0, v28;
	v3 =	vmax.f32 v3, v10;
	[tilespmem:s4+$0x14000] =	vst v2  }
0x9b: {  	s2 =	sor.u32 s11, s2;
	v1 =	vmax.f32 v1, v9;
	v0 =	vmax.f32 v0, v25;
	[tilespmem:s4+$0x14010] =	vst v3  }
0x9c: {  	p1 =	seq.s32 s31, $0x2F;
	s2 =	sshrl.u32 s2, $0x3;
	v1 =	vmax.f32 v1, v4;
	[tilespmem:s4+$0x14080] =	vst v0  }
0x9d: {  	s8 =	sadd.s32 s3, s2;
	[tilespmem:s4+$0x14090] =	vst v1;
	s4 =	sadd.s32 @!p1 $0x2, s0  }
0x9e: {  	[hbm4b:s8+s23] =	stream.strided.scatter [tilespmem:s24], [sflag:$0x3], $0x1000, s15, s23, $0x38;
	[tilespmem:$0x16000] =	vst v63  }
0x9f: {  	s7 =	sshll.u32 @!p1 s4, $0xC;
	s4 =	sshll.u32 @!p1 s4, $0x5  }
0xa0: {  	s7 =	sadd.s32 @!p1 s5, s7;
	s4 =	sand.u32 @!p1 $0x40, s4  }
0xa1: {  	s9 =	simm.s32 @!p1 $0x4000;
	s7 =	sand.u32 @!p1 $0xFFC000, s7;
	s4 =	sadd.s32 @!p1 s1, s4  }
0xa2: {  	s8 =	simm.s32 @!p1 $0x400;
	s4 =	sadd.s32 @!p1 s7, s4;
	s7 =	simm.s32 @!p1 $0x80  }
0xa3: {  	[tilespmem:s9], [sflag:$0x1] =	stream.strided.gather @!p1 [hbm4b:s4+s7], $0x4000, s8, s7, $0x38;
	[tilespmem:$0x16000] =	vst v63  }
0xa4: {  	s4 =	sadd.s32 @!p1 $0x10, s4;
	s9 =	simm.s32 @!p1 $0x8000  }
0xa5: {  	[tilespmem:s9], [sflag:$0x1] =	stream.strided.gather @!p1 [hbm4b:s4+s7], $0x4000, s8, s7, $0x38;
	[tilespmem:$0x16000] =	vst v63  }
0xa6: {  	_ =	swait.ge [sflag:s25], $0x4000  }
0xa7: {  	[sflag:s25] =	ssyncset.done $0x0  }
0xa8: {  	[sflag:s25] =	ssyncadd.s32 $0xFFFFC000  }
0xa9: {  	_ =	swait.ge [sflag:s25], $0x4000  }
0xaa: {  	[sflag:s25] =	ssyncset.done $0x0  }
0xab: {  	s4 =	simm.s32 @!p0 $0x4;
	[sflag:s25] =	ssyncadd.s32 $0xFFFFC000  }
0xac: {  	s17 =	simm.s32 $0x0;
	_ =	swait.ge @!p0 [sflag:s4], $0x1000  }
0xad: {  	s10 =	sand.u32 $0x1C00, s17;
	s9 =	sand.u32 $0x70, s17;
	[sflag:s4] =	ssyncset.done @!p0 $0x0  }
0xae: {  	s13 =	sor.u32 s9, s10;
	[sflag:s4] =	ssyncadd.s32 @!p0 $0xFFFFF000  }
0xaf: {  	v0 =	vld [tilespmem:s13+$0x100]  }
0xb0: {  	v1 =	vld [tilespmem:s13+$0x0]  }
0xb1: {  	v2 =	vld [tilespmem:s13+$0x80]  }
0xb2: {  	v3 =	vld [tilespmem:s13+$0x180];
	_ =	sdelay $0x1  }
0xb3: {  	v10 =	vld [tilespmem:s13+$0x300]  }
0xb4: {  	s20 =	sor.u32 s17, s17;
	v13 =	vld [tilespmem:s13+$0x200];
	v4 =	vshrl.u32 v0, $0x10  }
0xb5: {  	s7 =	sor.u32 $0x380, s20;
	v7 =	vand.u32 $0xFFFF, v0;
	v5 =	vshrl.u32 v1, $0x10;
	v0 =	vand.u32 $0xFFFF, v1  }
0xb6: {  	v22 =	vld [tilespmem:s7+$0x0];
	v9 =	vshrl.u32 v2, $0x10;
	v15 =	vshrl.u32 v3, $0x10;
	v6 =	vadd.s32 $0x4000, v5  }
0xb7: {  	v8 =	vld [tilespmem:s13+$0x2000];
	v11 =	vand.u32 $0x7F, v5;
	v12 =	vadd.s32 $0x4000, v9;
	v6 =	vand.u32 $0x1FF80, v6  }
0xb8: {  	v16 =	vand.u32 $0xFFFF, v2;
	v11 =	vor.u32 v11, v6;
	v6 =	vand.u32 $0x1FF80, v12;
	v12 =	vld [tilespmem:s13+$0x280]  }
0xb9: {  	v2 =	vand.u32 $0xFFFF, v3;
	v27 =	vand.u32 $0xFFFF, v13;
	v26 =	vand.u32 $0xFFFF, v10;
	v20 =	vld.idx.msk [tilespmem:v4+s18+$0x0], $0xffff  }
0xba: {  	v1 =	vadd.s32 $0x4000, v4;
	v14 =	vand.u32 $0x7F, v4;
	v18 =	vadd.s32 $0x4000, v0;
	v19 =	vld.idx.msk [tilespmem:v0+s18+$0x0], $0xffff  }
0xbb: {  	v17 =	vadd.s32 $0x4000, v15;
	v3 =	vand.u32 $0x7F, v15;
	v23 =	vadd.s32 $0x4000, v2;
	v21 =	vld.idx.msk [tilespmem:v5+s18+$0x0], $0xffff  }
0xbc: {  	v24 =	vadd.s32 $0x4000, v27;
	v31 =	vadd.s32 $0x4000, v26;
	v5 =	vand.u32 $0x1FF80, v17;
	v25 =	vld.idx.msk [tilespmem:v7+s18+$0x0], $0xffff  }
0xbd: {  	v1 =	vand.u32 $0x1FF80, v1;
	v4 =	vand.u32 $0x7F, v9;
	v28 =	vld.idx.msk [tilespmem:v16+s18+$0x0], $0xffff;
	v3 =	vor.u32 v3, v5  }
0xbe: {  	v5 =	vshrl.u32 v13, $0x10;
	v13 =	vld.idx.msk [tilespmem:v9+s18+$0x0], $0xffff;
	v9 =	vor.u32 v14, v1;
	v6 =	vor.u32 v4, v6  }
0xbf: {  	v29 =	vld.idx.msk [tilespmem:v15+s18+$0x0], $0xffff;
	v17 =	vadd.s32 $0x4000, v5;
	v1 =	vand.u32 $0x7F, v5;
	v15 =	vshrl.u32 v12, $0x10  }
0xc0: {  	v14 =	vand.u32 $0x1FF80, v17;
	v4 =	vld.idx.msk [tilespmem:v11+s18+$0x0], $0xffff;
	v11 =	vadd.s32 $0x4000, v7;
	v7 =	vadd.s32 $0x4000, v15  }
0xc1: {  	v18 =	vld.idx.msk [tilespmem:v18+s18+$0x0], $0xffff;
	v17 =	vand.u32 $0xFFFF, v12;
	v12 =	vand.u32 $0x7F, v15;
	v7 =	vand.u32 $0x1FF80, v7  }
0xc2: {  	v0 =	vadd.s32 $0x4000, v16;
	v16 =	vor.u32 v1, v14;
	v1 =	vld.idx.msk [tilespmem:v3+s18+$0x0], $0xffff;
	v12 =	vor.u32 v12, v7  }
0xc3: {  	v30 =	vadd.s32 $0x4000, v17;
	v19 =	vmax.f32 v19, v28;
	v3 =	vld.idx.msk [tilespmem:v24+s18+$0x0], $0xffff;
	v24 =	vshrl.u32 v10, $0x10  }
0xc4: {  	v10 =	vld.idx.msk [tilespmem:v27+s18+$0x0], $0xffff;
	v13 =	vmax.f32 v21, v13;
	v19 =	vmax.f32 v19, v25;
	v14 =	vadd.s32 $0x4000, v24  }
0xc5: {  	v7 =	vld.idx.msk [tilespmem:v23+s18+$0x0], $0xffff;
	v23 =	vand.u32 $0xFFFF, v8;
	v27 =	vand.u32 $0x7F, v24;
	v21 =	vand.u32 $0x1FF80, v14  }
0xc6: {  	v13 =	vmax.f32 v13, v20;
	v14 =	vld.idx.msk [tilespmem:v15+s18+$0x0], $0xffff;
	v15 =	vor.u32 v27, v21;
	v21 =	vshrl.u32 v8, $0x10  }
0xc7: {  	v25 =	vadd.s32 $0x4000, v23;
	v20 =	vmax.f32 v13, v29;
	v13 =	vadd.s32 $0x4000, v21;
	v8 =	vld.idx.msk [tilespmem:v12+s18+$0x0], $0xffff  }
0xc8: {  	s20 =	sand.u32 $0xF00, s17;
	s8 =	simm.s32 $0x0;
	v29 =	vand.u32 $0xFFFF, v22;
	v12 =	vld.idx.msk [tilespmem:v30+s18+$0x0], $0xffff;
	v30 =	vand.u32 $0x7F, v21;
	v32 =	vand.u32 $0x1FF80, v13  }
0xc9: {  	s9 =	simm.s32 $0x0;
	s4 =	simm.s32 $0x0;
	s7 =	simm.s32 $0x20;
	v28 =	vadd.s32 $0x4000, v29;
	v27 =	vshrl.u32 v22, $0x10;
	v13 =	vld.idx.msk [tilespmem:v31+s18+$0x0], $0xffff;
	v22 =	vor.u32 v30, v32  }
.LBB2_5:
0xca: {  	s17 =	sadd.s32 $0x40, s17  }
0xcb: {  	v26 =	vld.idx.msk [tilespmem:v26+s18+$0x0], $0xffff;
	s8 =	sadd.s32 $0x80, s8;
	s9 =	sadd.s32 $0x10, s9;
	s13 =	smov.u32 s7  }
0xcc: {  	p0 =	sne.s32 s7, $0x7E0;
	s7 =	sadd.s32 $0x20, s7;
	s10 =	sand.u32 $0xF00, s17;
	v24 =	vld.idx.msk [tilespmem:v24+s18+$0x0], $0xffff  }
0xcd: {  	v16 =	vld.idx.msk [tilespmem:v16+s18+$0x0], $0xffff  }
0xce: {  	v29 =	vld.idx.msk [tilespmem:v29+s18+$0x0], $0xffff  }
0xcf: {  	v30 =	vld.idx.msk [tilespmem:v27+s18+$0x0], $0xffff  }
0xd0: {  	v17 =	vld.idx.msk [tilespmem:v17+s18+$0x0], $0xffff  }
0xd1: {  	v9 =	vld.idx.msk [tilespmem:v9+s18+$0x0], $0xffff  }
0xd2: {  	v28 =	vld.idx.msk [tilespmem:v28+s18+$0x0], $0xffff  }
0xd3: {  	v11 =	vld.idx.msk [tilespmem:v11+s18+$0x0], $0xffff  }
0xd4: {  	v2 =	vld.idx.msk [tilespmem:v2+s18+$0x0], $0xffff  }
0xd5: {  	v31 =	vadd.s32 $0x4000, v27;
	v5 =	vld.idx.msk [tilespmem:v5+s18+$0x0], $0xffff  }
0xd6: {  	v31 =	vand.u32 $0x1FF80, v31;
	v27 =	vand.u32 $0x7F, v27;
	v0 =	vld.idx.msk [tilespmem:v0+s18+$0x0], $0xffff  }
0xd7: {  	v27 =	vor.u32 v27, v31;
	v6 =	vld.idx.msk [tilespmem:v6+s18+$0x0], $0xffff  }
0xd8: {  	v25 =	vld.idx.msk [tilespmem:v25+s18+$0x0], $0xffff  }
0xd9: {  	v23 =	vld.idx.msk [tilespmem:v23+s18+$0x0], $0xffff  }
0xda: {  	v2 =	vmax.f32 v19, v2;
	v19 =	vld.idx.msk [tilespmem:v21+s18+$0x0], $0xffff  }
0xdb: {  	v2 =	vmax.f32 v2, v10;
	v5 =	vmax.f32 v20, v5;
	v10 =	vld.idx.msk [tilespmem:v15+s18+$0x0], $0xffff  }
0xdc: {  	v0 =	vmax.f32 v18, v0;
	v5 =	vmax.f32 v5, v14;
	v14 =	vld.idx.msk [tilespmem:v27+s18+$0x0], $0xffff  }
0xdd: {  	v4 =	vmax.f32 v4, v6;
	v0 =	vmax.f32 v0, v11;
	v5 =	vmax.f32 v5, v24  }
0xde: {  	v2 =	vmax.f32 v2, v17;
	v4 =	vmax.f32 v4, v9;
	v0 =	vmax.f32 v0, v7;
	v6 =	vld.idx.msk [tilespmem:v22+s18+$0x0], $0xffff  }
0xdf: {  	v2 =	vmax.f32 v2, v26;
	v1 =	vmax.f32 v4, v1;
	v0 =	vmax.f32 v0, v3  }
0xe0: {  	v2 =	vmax.f32 v2, v29;
	v1 =	vmax.f32 v1, v16;
	v0 =	vmax.f32 v0, v12  }
0xe1: {  	s6 =	sand.u32 $0x60, s4;
	s4 =	smov.u32 s13;
	v1 =	vmax.f32 v1, v8;
	v0 =	vmax.f32 v0, v13  }
0xe2: {  	s6 =	sor.u32 s6, s20;
	s20 =	smov.u32 s10;
	v3 =	vmax.f32 v5, v30;
	v2 =	vmax.f32 v2, v23;
	v1 =	vmax.f32 v1, v10  }
0xe3: {  	v3 =	vmax.f32 v3, v19;
	v0 =	vmax.f32 v0, v28;
	v1 =	vmax.f32 v1, v14;
	[tilespmem:s6+$0x15000] =	vst v2  }
0xe4: {  	v0 =	vmax.f32 v0, v25;
	v1 =	vmax.f32 v1, v6;
	[tilespmem:s6+$0x15010] =	vst v3  }
0xe5: {  	s13 =	sand.u32 $0x1C00, s8;
	s10 =	sand.u32 $0x70, s9;
	[tilespmem:s6+$0x15080] =	vst v0  }
0xe6: {  	s10 =	sor.u32 s10, s13;
	[tilespmem:s6+$0x15090] =	vst v1  }
0xe7: {  	v0 =	vld [tilespmem:s10+$0x100]  }
0xe8: {  	v1 =	vld [tilespmem:s10+$0x0]  }
0xe9: {  	v2 =	vld [tilespmem:s10+$0x80]  }
0xea: {  	s6 =	sor.u32 s8, s9  }
0xeb: {  	s6 =	sor.u32 $0x380, s6;
	v3 =	vld [tilespmem:s10+$0x180]  }
0xec: {  	v4 =	vshrl.u32 v0, $0x10;
	v7 =	vand.u32 $0xFFFF, v0;
	v22 =	vld [tilespmem:s6+$0x0]  }
0xed: {  	v5 =	vshrl.u32 v1, $0x10;
	v0 =	vand.u32 $0xFFFF, v1;
	v1 =	vadd.s32 $0x4000, v4;
	v8 =	vld [tilespmem:s10+$0x2000]  }
0xee: {  	v10 =	vand.u32 $0x7F, v4;
	v6 =	vadd.s32 $0x4000, v5;
	v9 =	vshrl.u32 v2, $0x10;
	v12 =	vld [tilespmem:s10+$0x300]  }
0xef: {  	v11 =	vand.u32 $0x7F, v5;
	v6 =	vand.u32 $0x1FF80, v6;
	v13 =	vadd.s32 $0x4000, v9;
	v14 =	vld [tilespmem:s10+$0x200]  }
0xf0: {  	v11 =	vor.u32 v11, v6;
	v6 =	vand.u32 $0x1FF80, v13;
	v13 =	vshrl.u32 v3, $0x10;
	v15 =	vld [tilespmem:s10+$0x280]  }
0xf1: {  	v18 =	vadd.s32 $0x4000, v0;
	v16 =	vand.u32 $0xFFFF, v2;
	v17 =	vand.u32 $0x7F, v9;
	v20 =	vld.idx.msk [tilespmem:v4+s18+$0x0], $0xffff  }
0xf2: {  	v2 =	vand.u32 $0xFFFF, v3;
	v3 =	vadd.s32 $0x4000, v13;
	v19 =	vld.idx.msk [tilespmem:v0+s18+$0x0], $0xffff;
	v0 =	vadd.s32 $0x4000, v16  }
0xf3: {  	v4 =	vand.u32 $0x7F, v13;
	v23 =	vadd.s32 $0x4000, v2;
	v3 =	vand.u32 $0x1FF80, v3;
	v21 =	vld.idx.msk [tilespmem:v5+s18+$0x0], $0xffff  }
0xf4: {  	v3 =	vor.u32 v4, v3;
	v25 =	vld.idx.msk [tilespmem:v7+s18+$0x0], $0xffff;
	v5 =	vshrl.u32 v14, $0x10;
	v14 =	vand.u32 $0xFFFF, v14  }
0xf5: {  	v1 =	vand.u32 $0x1FF80, v1;
	v27 =	vld.idx.msk [tilespmem:v9+s18+$0x0], $0xffff;
	v24 =	vadd.s32 $0x4000, v14;
	v4 =	vadd.s32 $0x4000, v5  }
0xf6: {  	v9 =	vor.u32 v10, v1;
	v1 =	vand.u32 $0x7F, v5;
	v28 =	vld.idx.msk [tilespmem:v16+s18+$0x0], $0xffff;
	v4 =	vand.u32 $0x1FF80, v4  }
0xf7: {  	v6 =	vor.u32 v17, v6;
	v29 =	vshrl.u32 v15, $0x10;
	v13 =	vld.idx.msk [tilespmem:v13+s18+$0x0], $0xffff;
	v16 =	vor.u32 v1, v4  }
0xf8: {  	v17 =	vand.u32 $0xFFFF, v15;
	v4 =	vld.idx.msk [tilespmem:v11+s18+$0x0], $0xffff;
	v11 =	vadd.s32 $0x4000, v7;
	v7 =	vadd.s32 $0x4000, v29  }
0xf9: {  	v10 =	vand.u32 $0x7F, v29;
	v30 =	vadd.s32 $0x4000, v17;
	v1 =	vld.idx.msk [tilespmem:v3+s18+$0x0], $0xffff;
	v7 =	vand.u32 $0x1FF80, v7  }
0xfa: {  	v26 =	vand.u32 $0xFFFF, v12;
	v3 =	vld.idx.msk [tilespmem:v24+s18+$0x0], $0xffff;
	v31 =	vor.u32 v10, v7;
	v24 =	vshrl.u32 v12, $0x10  }
0xfb: {  	v32 =	vadd.s32 $0x4000, v26;
	v10 =	vld.idx.msk [tilespmem:v14+s18+$0x0], $0xffff;
	v12 =	vand.u32 $0x7F, v24;
	v14 =	vadd.s32 $0x4000, v24  }
0xfc: {  	v21 =	vmax.f32 v21, v27;
	v15 =	vmax.f32 v19, v28;
	v7 =	vld.idx.msk [tilespmem:v23+s18+$0x0], $0xffff;
	v23 =	vand.u32 $0x1FF80, v14  }
.Ltmp3:
0xfd: {  	v20 =	vmax.f32 v21, v20;
	v19 =	vmax.f32 v15, v25;
	v14 =	vld.idx.msk [tilespmem:v29+s18+$0x0], $0xffff;
	v15 =	vor.u32 v12, v23;
	(pc) =	sbr.rel @p0 .LBB2_5-.Ltmp3, $4  }
0xfe: {  	v21 =	vshrl.u32 v8, $0x10;
	v20 =	vmax.f32 v20, v13;
	v23 =	vand.u32 $0xFFFF, v8;
	v18 =	vld.idx.msk [tilespmem:v18+s18+$0x0], $0xffff  }
0xff: {  	v13 =	vadd.s32 $0x4000, v21;
	v29 =	vand.u32 $0xFFFF, v22;
	v25 =	vadd.s32 $0x4000, v23;
	v8 =	vld.idx.msk [tilespmem:v31+s18+$0x0], $0xffff  }
0x100: {  	v28 =	vadd.s32 $0x4000, v29;
	v31 =	vand.u32 $0x1FF80, v13;
	v12 =	vld.idx.msk [tilespmem:v30+s18+$0x0], $0xffff;
	v30 =	vand.u32 $0x7F, v21  }
0x101: {  	v27 =	vshrl.u32 v22, $0x10;
	v13 =	vld.idx.msk [tilespmem:v32+s18+$0x0], $0xffff;
	v22 =	vor.u32 v30, v31  }
0x102: {  	_ =	sdelay $0x3  }
0x103: {  	v26 =	vld.idx.msk [tilespmem:v26+s18+$0x0], $0xffff  }
0x104: {  	v24 =	vld.idx.msk [tilespmem:v24+s18+$0x0], $0xffff  }
0x105: {  	v16 =	vld.idx.msk [tilespmem:v16+s18+$0x0], $0xffff  }
0x106: {  	v29 =	vld.idx.msk [tilespmem:v29+s18+$0x0], $0xffff  }
0x107: {  	v30 =	vld.idx.msk [tilespmem:v27+s18+$0x0], $0xffff  }
0x108: {  	v17 =	vld.idx.msk [tilespmem:v17+s18+$0x0], $0xffff  }
0x109: {  	v9 =	vld.idx.msk [tilespmem:v9+s18+$0x0], $0xffff  }
0x10a: {  	v2 =	vld.idx.msk [tilespmem:v2+s18+$0x0], $0xffff  }
0x10b: {  	v5 =	vld.idx.msk [tilespmem:v5+s18+$0x0], $0xffff  }
0x10c: {  	v0 =	vld.idx.msk [tilespmem:v0+s18+$0x0], $0xffff  }
0x10d: {  	v31 =	vadd.s32 $0x4000, v27;
	v6 =	vld.idx.msk [tilespmem:v6+s18+$0x0], $0xffff  }
0x10e: {  	v11 =	vld.idx.msk [tilespmem:v11+s18+$0x0], $0xffff;
	v57 =	vand.u32 $0x7F, v27;
	v31 =	vand.u32 $0x1FF80, v31  }
0x10f: {  	v28 =	vld.idx.msk [tilespmem:v28+s18+$0x0], $0xffff;
	v27 =	vor.u32 v57, v31  }
0x110: {  	v25 =	vld.idx.msk [tilespmem:v25+s18+$0x0], $0xffff  }
0x111: {  	v58 =	vld.idx.msk [tilespmem:v23+s18+$0x0], $0xffff;
	v2 =	vmax.f32 v19, v2;
	v5 =	vmax.f32 v20, v5;
	v0 =	vmax.f32 v18, v0  }
0x112: {  	v59 =	vld.idx.msk [tilespmem:v21+s18+$0x0], $0xffff;
	v4 =	vmax.f32 v4, v6;
	v2 =	vmax.f32 v2, v10;
	v5 =	vmax.f32 v5, v14  }
0x113: {  	v60 =	vld.idx.msk [tilespmem:v15+s18+$0x0], $0xffff;
	v0 =	vmax.f32 v0, v11;
	v4 =	vmax.f32 v4, v9;
	v5 =	vmax.f32 v5, v24  }
0x114: {  	v61 =	vld.idx.msk [tilespmem:v27+s18+$0x0], $0xffff;
	v0 =	vmax.f32 v0, v7;
	v2 =	vmax.f32 v2, v17;
	v1 =	vmax.f32 v4, v1  }
0x115: {  	v62 =	vld.idx.msk [tilespmem:v22+s18+$0x0], $0xffff;
	v0 =	vmax.f32 v0, v3;
	v2 =	vmax.f32 v2, v26;
	v1 =	vmax.f32 v1, v16  }
0x116: {  	s4 =	sand.u32 $0x60, s4;
	v63 =	vmax.f32 v5, v30;
	v0 =	vmax.f32 v0, v12;
	v2 =	vmax.f32 v2, v29  }
0x117: {  	s4 =	sor.u32 s4, s20;
	v1 =	vmax.f32 v1, v8;
	v3 =	vmax.f32 v63, v59;
	v0 =	vmax.f32 v0, v13  }
.Ltmp4:
0x118: {  	v2 =	vmax.f32 v2, v58;
	v1 =	vmax.f32 v1, v60;
	[tilespmem:s4+$0x15010] =	vst v3;
	v0 =	vmax.f32 v0, v28;
	(pc) =	sbr.rel @p1 .LBB2_8-.Ltmp4, $4  }
0x119: {  	[tilespmem:s4+$0x15000] =	vst v2;
	v1 =	vmax.f32 v1, v61;
	v0 =	vmax.f32 v0, v25  }
0x11a: {  	s2 =	sadd.s32 s2, s3;
	v1 =	vmax.f32 v1, v62;
	[tilespmem:s4+$0x15080] =	vst v0  }
0x11b: {  	s2 =	sadd.s32 $0x20, s2;
	[tilespmem:s4+$0x15090] =	vst v1  }
0x11c: {  	[hbm4b:s2+s23] =	stream.strided.scatter [tilespmem:s26], [sflag:$0x4], $0x1000, s15, s23, $0x38;
	[tilespmem:$0x16000] =	vst v63  }
0x11d: {  	s0 =	sadd.s32 $0x3, s0  }
0x11e: {  	s2 =	sshll.u32 s0, $0xC;
	s0 =	sshll.u32 s0, $0x5  }
0x11f: {  	s2 =	sadd.s32 s5, s2;
	s0 =	sand.u32 $0x60, s0  }
.Ltmp5:
0x120: {  	s2 =	sand.u32 $0xFFC000, s2;
	s0 =	sadd.s32 s1, s0;
	(pc) =	sbr.rel .LBB2_2-.Ltmp5, $4  }
0x121: {  	s0 =	sadd.s32 s2, s0  }
0x122: {  	[tilespmem:s18], [sflag:$0x2] =	stream.strided.gather [hbm4b:s0+s14], $0x4000, s15, s14, $0x38;
	[tilespmem:$0x16000] =	vst v63  }
0x123: {  	s31 =	sadd.s32 $0x1, s31;
	s0 =	sadd.s32 $0x10, s0  }
0x124: {  	[tilespmem:s19], [sflag:$0x2] =	stream.strided.gather [hbm4b:s0+s14], $0x4000, s15, s14, $0x38;
	[tilespmem:$0x16000] =	vst v63  }
.LBB2_9:
0x125: {  	_ =	sfence.sel $0x180000  }
0x126: {  	[bflag:$0x0] =	sbarrier.arrive $0xFFFF  }
0x127: {  	_ =	strace $0x90000047  }
0x128: {  	s0 =	stileid.u32;
	[bflag:$0x2] =	sbarrier.arrive $0xFFFF  }
0x129: {  	p0 =	sne.s32 s0, $0x0;
	s0 =	rddreg [dreg:$0x3]  }
0x12a: {  	s0 =	sadd.s32 @!p0 $0x100000, s0  }
0x12b: {  	[sflag:s0] =	ssyncadd.tile.s32 @!p0 $0x1;
	_ =	shalt  }
.Lfunc_end2:
_tile_overlayer_lowered:
.L_overlay_start_2:
0x12c: {  	(tag) =	ssettag $0x2  }
0x12d: {  	s0 =	rddreg [dreg:$0x0];
	s2 =	stileid.u32  }
0x12e: {  	s1 =	rddreg [dreg:$0x1];
	p0 =	sne.s32 s2, $0x0  }
0x12f: {  	s3 =	rddreg [dreg:$0x2];
	[bflag:$0x3] =	sbarrier.arrive $0xFFFF;
	s2 =	simm.s32 @!p0 $0x1C05  }
0x130: {  	[timem:s3], [sflag:s2] =	dma.local @!p0 [hbm:s0], s1  }
0x131: {  	s0 =	simm.s32 @!p0 $0x5  }
0x132: {  	_ =	swait.ge @!p0 [sflag:s0], s1  }
0x133: {  	s1 =	ssub.s32 @!p0 $0x0, s1;
	[sflag:s0] =	ssyncset.done @!p0 $0x0  }
0x134: {  	[sflag:s0] =	ssyncadd.s32 @!p0 s1  }
0x135: {  	[bflag:$0x3] =	sbarrier.arrive $0xFFFF  }
0x136: {  	_ =	shalt  }

</sc_bundles>
